<compile_context>
chip_gen: v7x
topology: tpu7x:2x2x1
jax: 0.10.2.dev20260603
libtpu: 0.0.44.dev20260713+nightly
codegen_flags: <defaults>
</compile_context>

<pallas_src>
import functools

import jax
import jax.numpy as jnp
from jax import lax
from jax.experimental import pallas as pl
from jax.experimental.pallas import tpu as pltpu
from jax.experimental.pallas import tpu_sc as plsc

HIDDEN = 2048
NUM_EXPERTS = 16
TOP_K = 2
BLOCK = 1024
N_TOKENS = 16384
NW = 32
TPW = N_TOKENS // NW
NGROUPS = TPW // 16


def _tc_body(x_ref, w_ref, logits_ref):
    logits_ref[...] = lax.dot_general(
        w_ref[...], x_ref[...],
        dimension_numbers=(((1,), (1,)), ((), ())),
        preferred_element_type=jnp.float32,
    )


def _tc_logits(x, W):
    n, h = x.shape
    grid = (n // BLOCK,)
    return pl.pallas_call(
        _tc_body,
        grid=grid,
        in_specs=[
            pl.BlockSpec((BLOCK, h), lambda i: (i, 0)),
            pl.BlockSpec((NUM_EXPERTS, h), lambda i: (0, 0)),
        ],
        out_specs=pl.BlockSpec((NUM_EXPERTS, BLOCK), lambda i: (0, i)),
        out_shape=jax.ShapeDtypeStruct((NUM_EXPERTS, n), jnp.float32),
        compiler_params=pltpu.CompilerParams(
            dimension_semantics=("arbitrary",),
        ),
    )(x, W)


def _sc_route_body(lg_hbm, idx_hbm, w_hbm, lg_v, i1_v, i2_v, w1_v, w2_v):
    wid = lax.axis_index("s") * 2 + lax.axis_index("c")
    base = wid * TPW
    pltpu.sync_copy(lg_hbm.at[:, pl.ds(base, TPW)], lg_v)

    def group(g, carry):
        neg = jnp.full((16,), -jnp.inf, jnp.float32)
        zero = jnp.zeros((16,), jnp.int32)
        m1, m2, i1, i2 = neg, neg, zero, zero
        for e in range(NUM_EXPERTS):
            v = lg_v[e, pl.ds(g * 16, 16)]
            ev = jnp.full((16,), e, jnp.int32)
            gt1 = v > m1
            vgt2 = v > m2
            m2 = jnp.where(gt1, m1, jnp.where(vgt2, v, m2))
            i2 = jnp.where(gt1, i1, jnp.where(vgt2, ev, i2))
            m1 = jnp.where(gt1, v, m1)
            i1 = jnp.where(gt1, ev, i1)
        ex = jnp.exp(m2 - m1)
        w1 = 1.0 / (1.0 + ex)
        w2 = 1.0 - w1
        sl = pl.ds(g * 16, 16)
        i1_v[sl] = i1
        i2_v[sl] = i2
        w1_v[sl] = w1
        w2_v[sl] = w2
        return carry

    lax.fori_loop(0, NGROUPS, group, 0)
    pltpu.sync_copy(i1_v, idx_hbm.at[0, pl.ds(base, TPW)])
    pltpu.sync_copy(i2_v, idx_hbm.at[1, pl.ds(base, TPW)])
    pltpu.sync_copy(w1_v, w_hbm.at[0, pl.ds(base, TPW)])
    pltpu.sync_copy(w2_v, w_hbm.at[1, pl.ds(base, TPW)])


def _sc_route(logits_t):
    mesh = plsc.VectorSubcoreMesh(core_axis_name="c", subcore_axis_name="s")
    k = functools.partial(
        pl.kernel,
        mesh=mesh,
        out_type=[
            jax.ShapeDtypeStruct((TOP_K, N_TOKENS), jnp.int32),
            jax.ShapeDtypeStruct((TOP_K, N_TOKENS), jnp.float32),
        ],
        scratch_types=[
            pltpu.VMEM((NUM_EXPERTS, TPW), jnp.float32),
            pltpu.VMEM((TPW,), jnp.int32),
            pltpu.VMEM((TPW,), jnp.int32),
            pltpu.VMEM((TPW,), jnp.float32),
            pltpu.VMEM((TPW,), jnp.float32),
        ],
    )(_sc_route_body)
    return k(logits_t)


def kernel(hidden_states, W):
    b, s, h = hidden_states.shape
    x = hidden_states.reshape(-1, h)
    logits_t = _tc_logits(x, W)
    idx_t, w_t = _sc_route(logits_t)
    return logits_t.T, idx_t.T, w_t.T

# --- scband reference (transcript-rebuilt; emitter-appended) ---
"""Pipeline reference for scband-top-krouter-41798621724829 (READ-ONLY COPY).

The authoritative reference and input builder live on the scoring server;
editing this copy changes nothing except your own understanding.
"""

import jax, jax.numpy as jnp
import numpy as np

HIDDEN = 2048
NUM_EXPERTS = 16
TOP_K = 2

def setup_inputs(seed: int = 0) -> dict:
    key = jax.random.key(seed)
    k1, k2 = jax.random.split(key)
    hidden_states = jax.random.normal(k1, (4, 4096, HIDDEN), dtype=jnp.float32)
    # nn.Linear(hidden_size, num_experts, bias=False): weight shape [num_experts, hidden_size]
    bound = 1.0 / np.sqrt(HIDDEN)
    W = jax.random.uniform(k2, (NUM_EXPERTS, HIDDEN), dtype=jnp.float32, minval=-bound, maxval=bound)
    return {"hidden_states": hidden_states, "W": W}

def reference(hidden_states, W):
    b, s, h = hidden_states.shape
    x = hidden_states.reshape(-1, h)
    router_logits = x @ W.T  # [num_tokens, num_experts]
    top_k_logits, top_k_indices = jax.lax.top_k(router_logits, TOP_K)
    top_k_weights = jax.nn.softmax(top_k_logits, axis=-1)
    return (router_logits, top_k_indices, top_k_weights)

if __name__ == "__main__":
    import jax
    _d = setup_inputs()
    print(jax.jit(kernel)(*tuple(_d.values())))

</pallas_src>

<mosaic_0001>
#map = affine_map<(d0, d1) -> (0, 0)>
module attributes {stable_mosaic.version = 14 : i64} {
  func.func @_sc_route_body(%arg0: i32, %arg1: i32, %arg2: memref<16x16384xf32, #tpu.memory_space<hbm>>, %arg3: memref<2x16384xi32, #tpu.memory_space<hbm>>, %arg4: memref<2x16384xf32, #tpu.memory_space<hbm>>, %arg5: memref<16x512xf32, #tpu.memory_space<vmem>>, %arg6: memref<512xi32, #tpu.memory_space<vmem>>, %arg7: memref<512xi32, #tpu.memory_space<vmem>>, %arg8: memref<512xf32, #tpu.memory_space<vmem>>, %arg9: memref<512xf32, #tpu.memory_space<vmem>>) attributes {dimension_semantics = [#tpu.dimension_semantics<core_parallel>, #tpu.dimension_semantics<subcore_parallel>], iteration_bounds = array<i64: 2, 16>, scalar_prefetch = 0 : i64, scratch_operands = 5 : i64, tpu.core_type = #tpu.core_type<sc_vector_subcore>, window_params = [{transform_indices = #map}, {transform_indices = #map}, {transform_indices = #map}]} {
    %mul3A = arith.constant 2 : i32
    %mul3A_0 = arith.muli %arg1, %mul3A : i32
    %add3A = arith.addi %mul3A_0, %arg0 : i32
    %mul3A_1 = arith.constant 512 : i32
    %mul3A_2 = arith.muli %add3A, %mul3A_1 : i32
    "tpu.region"() ({
      %run_scoped3A_11 = tpu.sem_alloc : memref<!tpu.dma_semaphore, #tpu.memory_space<semaphore_mem>>
      %dma_start3A = arith.constant 0 : i32
      %dma_start3A_12 = tpu.memref_slice %arg2[%dma_start3A, %mul3A_2] : memref<16x16384xf32, #tpu.memory_space<hbm>> -> memref<16x512xf32, #tpu.memory_space<hbm>>
      %dma_start3A_13 = arith.constant 0 : i32
      %dma_start3A_14 = tpu.memref_slice %arg2[%dma_start3A_13, %mul3A_2] : memref<16x16384xf32, #tpu.memory_space<hbm>> -> memref<16x512xf32, #tpu.memory_space<hbm>>
      tpu.enqueue_dma source(%dma_start3A_14 : memref<16x512xf32, #tpu.memory_space<hbm>>) target(%arg5 : memref<16x512xf32, #tpu.memory_space<vmem>>) target_semaphore(%run_scoped3A_11 : memref<!tpu.dma_semaphore, #tpu.memory_space<semaphore_mem>>)
      %dma_wait3A = arith.constant 0 : i32
      %dma_wait3A_15 = tpu.memref_slice %arg2[%dma_wait3A, %mul3A_2] : memref<16x16384xf32, #tpu.memory_space<hbm>> -> memref<16x512xf32, #tpu.memory_space<hbm>>
      %dma_wait3A_16 = arith.constant 0 : i32
      %dma_wait3A_17 = tpu.memref_slice %arg2[%dma_wait3A_16, %mul3A_2] : memref<16x16384xf32, #tpu.memory_space<hbm>> -> memref<16x512xf32, #tpu.memory_space<hbm>>
      tpu.wait_dma2 semaphore(%run_scoped3A_11 : memref<!tpu.dma_semaphore, #tpu.memory_space<semaphore_mem>>) src(%dma_wait3A_17 : memref<16x512xf32, #tpu.memory_space<hbm>>) dst(%arg5 : memref<16x512xf32, #tpu.memory_space<vmem>>)
      tpu.yield
    }) : () -> ()
    %scan3A = arith.constant 0 : i32
    %scan3A_3 = arith.constant 0 : i32
    %scan3A_4 = arith.constant 32 : i32
    %scan3A_5 = arith.addi %scan3A_3, %scan3A_4 : i32
    %scan3A_6 = arith.constant 1 : i32
    scf.for %scan3A_11 = %scan3A_3 to %scan3A_5 step %scan3A_6  : i32 {
      %broadcast_in_dim3A = arith.constant 0xFF800000 : f32
      %broadcast_in_dim3A_12 = vector.broadcast %broadcast_in_dim3A : f32 to vector<16xf32>
      %broadcast_in_dim3A_13 = arith.constant 0 : i32
      %broadcast_in_dim3A_14 = vector.broadcast %broadcast_in_dim3A_13 : i32 to vector<16xi32>
      %mul3A_15 = arith.constant 16 : i32
      %mul3A_16 = arith.muli %scan3A_11, %mul3A_15 : i32
      %get3A = arith.constant 0 : i32
      %get3A_17 = arith.index_cast %get3A : i32 to index
      %get3A_18 = arith.index_cast %mul3A_16 : i32 to index
      %get3A_19 = tpu.vector_load %arg5[%get3A_17, %get3A_18] {strides = array<i32>} : memref<16x512xf32, #tpu.memory_space<vmem>>, vector<1x16xf32>,
      %get3A_20 = vector.shape_cast %get3A_19 : vector<1x16xf32> to vector<16xf32>
      %broadcast_in_dim3A_21 = arith.constant 0 : i32
      %broadcast_in_dim3A_22 = vector.broadcast %broadcast_in_dim3A_21 : i32 to vector<16xi32>
      %gt3A = arith.cmpf ogt, %get3A_20, %broadcast_in_dim3A_12 : vector<16xf32>
      %gt3A_23 = arith.cmpf ogt, %get3A_20, %broadcast_in_dim3A_12 : vector<16xf32>
      %select_n3A = arith.select %gt3A_23, %get3A_20, %broadcast_in_dim3A_12 : vector<16xi1>, vector<16xf32>
      %select_n3A_24 = arith.select %gt3A, %broadcast_in_dim3A_12, %select_n3A : vector<16xi1>, vector<16xf32>
      %select_n3A_25 = arith.select %gt3A_23, %broadcast_in_dim3A_22, %broadcast_in_dim3A_14 : vector<16xi1>, vector<16xi32>
      %select_n3A_26 = arith.select %gt3A, %broadcast_in_dim3A_14, %select_n3A_25 : vector<16xi1>, vector<16xi32>
      %select_n3A_27 = arith.select %gt3A, %get3A_20, %broadcast_in_dim3A_12 : vector<16xi1>, vector<16xf32>
      %select_n3A_28 = arith.select %gt3A, %broadcast_in_dim3A_22, %broadcast_in_dim3A_14 : vector<16xi1>, vector<16xi32>
      %mul3A_29 = arith.constant 16 : i32
      %mul3A_30 = arith.muli %scan3A_11, %mul3A_29 : i32
      %get3A_31 = arith.constant 1 : i32
      %get3A_32 = arith.index_cast %get3A_31 : i32 to index
      %get3A_33 = arith.index_cast %mul3A_30 : i32 to index
      %get3A_34 = tpu.vector_load %arg5[%get3A_32, %get3A_33] {strides = array<i32>} : memref<16x512xf32, #tpu.memory_space<vmem>>, vector<1x16xf32>,
      %get3A_35 = vector.shape_cast %get3A_34 : vector<1x16xf32> to vector<16xf32>
      %broadcast_in_dim3A_36 = arith.constant 1 : i32
      %broadcast_in_dim3A_37 = vector.broadcast %broadcast_in_dim3A_36 : i32 to vector<16xi32>
      %gt3A_38 = arith.cmpf ogt, %get3A_35, %select_n3A_27 : vector<16xf32>
      %gt3A_39 = arith.cmpf ogt, %get3A_35, %select_n3A_24 : vector<16xf32>
      %select_n3A_40 = arith.select %gt3A_39, %get3A_35, %select_n3A_24 : vector<16xi1>, vector<16xf32>
      %select_n3A_41 = arith.select %gt3A_38, %select_n3A_27, %select_n3A_40 : vector<16xi1>, vector<16xf32>
      %select_n3A_42 = arith.select %gt3A_39, %broadcast_in_dim3A_37, %select_n3A_26 : vector<16xi1>, vector<16xi32>
      %select_n3A_43 = arith.select %gt3A_38, %select_n3A_28, %select_n3A_42 : vector<16xi1>, vector<16xi32>
      %select_n3A_44 = arith.select %gt3A_38, %get3A_35, %select_n3A_27 : vector<16xi1>, vector<16xf32>
      %select_n3A_45 = arith.select %gt3A_38, %broadcast_in_dim3A_37, %select_n3A_28 : vector<16xi1>, vector<16xi32>
      %mul3A_46 = arith.constant 16 : i32
      %mul3A_47 = arith.muli %scan3A_11, %mul3A_46 : i32
      %get3A_48 = arith.constant 2 : i32
      %get3A_49 = arith.index_cast %get3A_48 : i32 to index
      %get3A_50 = arith.index_cast %mul3A_47 : i32 to index
      %get3A_51 = tpu.vector_load %arg5[%get3A_49, %get3A_50] {strides = array<i32>} : memref<16x512xf32, #tpu.memory_space<vmem>>, vector<1x16xf32>,
      %get3A_52 = vector.shape_cast %get3A_51 : vector<1x16xf32> to vector<16xf32>
      %broadcast_in_dim3A_53 = arith.constant 2 : i32
      %broadcast_in_dim3A_54 = vector.broadcast %broadcast_in_dim3A_53 : i32 to vector<16xi32>
      %gt3A_55 = arith.cmpf ogt, %get3A_52, %select_n3A_44 : vector<16xf32>
      %gt3A_56 = arith.cmpf ogt, %get3A_52, %select_n3A_41 : vector<16xf32>
      %select_n3A_57 = arith.select %gt3A_56, %get3A_52, %select_n3A_41 : vector<16xi1>, vector<16xf32>
      %select_n3A_58 = arith.select %gt3A_55, %select_n3A_44, %select_n3A_57 : vector<16xi1>, vector<16xf32>
      %select_n3A_59 = arith.select %gt3A_56, %broadcast_in_dim3A_54, %select_n3A_43 : vector<16xi1>, vector<16xi32>
      %select_n3A_60 = arith.select %gt3A_55, %select_n3A_45, %select_n3A_59 : vector<16xi1>, vector<16xi32>
      %select_n3A_61 = arith.select %gt3A_55, %get3A_52, %select_n3A_44 : vector<16xi1>, vector<16xf32>
      %select_n3A_62 = arith.select %gt3A_55, %broadcast_in_dim3A_54, %select_n3A_45 : vector<16xi1>, vector<16xi32>
      %mul3A_63 = arith.constant 16 : i32
      %mul3A_64 = arith.muli %scan3A_11, %mul3A_63 : i32
      %get3A_65 = arith.constant 3 : i32
      %get3A_66 = arith.index_cast %get3A_65 : i32 to index
      %get3A_67 = arith.index_cast %mul3A_64 : i32 to index
      %get3A_68 = tpu.vector_load %arg5[%get3A_66, %get3A_67] {strides = array<i32>} : memref<16x512xf32, #tpu.memory_space<vmem>>, vector<1x16xf32>,
      %get3A_69 = vector.shape_cast %get3A_68 : vector<1x16xf32> to vector<16xf32>
      %broadcast_in_dim3A_70 = arith.constant 3 : i32
      %broadcast_in_dim3A_71 = vector.broadcast %broadcast_in_dim3A_70 : i32 to vector<16xi32>
      %gt3A_72 = arith.cmpf ogt, %get3A_69, %select_n3A_61 : vector<16xf32>
      %gt3A_73 = arith.cmpf ogt, %get3A_69, %select_n3A_58 : vector<16xf32>
      %select_n3A_74 = arith.select %gt3A_73, %get3A_69, %select_n3A_58 : vector<16xi1>, vector<16xf32>
      %select_n3A_75 = arith.select %gt3A_72, %select_n3A_61, %select_n3A_74 : vector<16xi1>, vector<16xf32>
      %select_n3A_76 = arith.select %gt3A_73, %broadcast_in_dim3A_71, %select_n3A_60 : vector<16xi1>, vector<16xi32>
      %select_n3A_77 = arith.select %gt3A_72, %select_n3A_62, %select_n3A_76 : vector<16xi1>, vector<16xi32>
      %select_n3A_78 = arith.select %gt3A_72, %get3A_69, %select_n3A_61 : vector<16xi1>, vector<16xf32>
      %select_n3A_79 = arith.select %gt3A_72, %broadcast_in_dim3A_71, %select_n3A_62 : vector<16xi1>, vector<16xi32>
      %mul3A_80 = arith.constant 16 : i32
      %mul3A_81 = arith.muli %scan3A_11, %mul3A_80 : i32
      %get3A_82 = arith.constant 4 : i32
      %get3A_83 = arith.index_cast %get3A_82 : i32 to index
      %get3A_84 = arith.index_cast %mul3A_81 : i32 to index
      %get3A_85 = tpu.vector_load %arg5[%get3A_83, %get3A_84] {strides = array<i32>} : memref<16x512xf32, #tpu.memory_space<vmem>>, vector<1x16xf32>,
      %get3A_86 = vector.shape_cast %get3A_85 : vector<1x16xf32> to vector<16xf32>
      %broadcast_in_dim3A_87 = arith.constant 4 : i32
      %broadcast_in_dim3A_88 = vector.broadcast %broadcast_in_dim3A_87 : i32 to vector<16xi32>
      %gt3A_89 = arith.cmpf ogt, %get3A_86, %select_n3A_78 : vector<16xf32>
      %gt3A_90 = arith.cmpf ogt, %get3A_86, %select_n3A_75 : vector<16xf32>
      %select_n3A_91 = arith.select %gt3A_90, %get3A_86, %select_n3A_75 : vector<16xi1>, vector<16xf32>
      %select_n3A_92 = arith.select %gt3A_89, %select_n3A_78, %select_n3A_91 : vector<16xi1>, vector<16xf32>
      %select_n3A_93 = arith.select %gt3A_90, %broadcast_in_dim3A_88, %select_n3A_77 : vector<16xi1>, vector<16xi32>
      %select_n3A_94 = arith.select %gt3A_89, %select_n3A_79, %select_n3A_93 : vector<16xi1>, vector<16xi32>
      %select_n3A_95 = arith.select %gt3A_89, %get3A_86, %select_n3A_78 : vector<16xi1>, vector<16xf32>
      %select_n3A_96 = arith.select %gt3A_89, %broadcast_in_dim3A_88, %select_n3A_79 : vector<16xi1>, vector<16xi32>
      %mul3A_97 = arith.constant 16 : i32
      %mul3A_98 = arith.muli %scan3A_11, %mul3A_97 : i32
      %get3A_99 = arith.constant 5 : i32
      %get3A_100 = arith.index_cast %get3A_99 : i32 to index
      %get3A_101 = arith.index_cast %mul3A_98 : i32 to index
      %get3A_102 = tpu.vector_load %arg5[%get3A_100, %get3A_101] {strides = array<i32>} : memref<16x512xf32, #tpu.memory_space<vmem>>, vector<1x16xf32>,
      %get3A_103 = vector.shape_cast %get3A_102 : vector<1x16xf32> to vector<16xf32>
      %broadcast_in_dim3A_104 = arith.constant 5 : i32
      %broadcast_in_dim3A_105 = vector.broadcast %broadcast_in_dim3A_104 : i32 to vector<16xi32>
      %gt3A_106 = arith.cmpf ogt, %get3A_103, %select_n3A_95 : vector<16xf32>
      %gt3A_107 = arith.cmpf ogt, %get3A_103, %select_n3A_92 : vector<16xf32>
      %select_n3A_108 = arith.select %gt3A_107, %get3A_103, %select_n3A_92 : vector<16xi1>, vector<16xf32>
      %select_n3A_109 = arith.select %gt3A_106, %select_n3A_95, %select_n3A_108 : vector<16xi1>, vector<16xf32>
      %select_n3A_110 = arith.select %gt3A_107, %broadcast_in_dim3A_105, %select_n3A_94 : vector<16xi1>, vector<16xi32>
      %select_n3A_111 = arith.select %gt3A_106, %select_n3A_96, %select_n3A_110 : vector<16xi1>, vector<16xi32>
      %select_n3A_112 = arith.select %gt3A_106, %get3A_103, %select_n3A_95 : vector<16xi1>, vector<16xf32>
      %select_n3A_113 = arith.select %gt3A_106, %broadcast_in_dim3A_105, %select_n3A_96 : vector<16xi1>, vector<16xi32>
      %mul3A_114 = arith.constant 16 : i32
      %mul3A_115 = arith.muli %scan3A_11, %mul3A_114 : i32
      %get3A_116 = arith.constant 6 : i32
      %get3A_117 = arith.index_cast %get3A_116 : i32 to index
      %get3A_118 = arith.index_cast %mul3A_115 : i32 to index
      %get3A_119 = tpu.vector_load %arg5[%get3A_117, %get3A_118] {strides = array<i32>} : memref<16x512xf32, #tpu.memory_space<vmem>>, vector<1x16xf32>,
      %get3A_120 = vector.shape_cast %get3A_119 : vector<1x16xf32> to vector<16xf32>
      %broadcast_in_dim3A_121 = arith.constant 6 : i32
      %broadcast_in_dim3A_122 = vector.broadcast %broadcast_in_dim3A_121 : i32 to vector<16xi32>
      %gt3A_123 = arith.cmpf ogt, %get3A_120, %select_n3A_112 : vector<16xf32>
      %gt3A_124 = arith.cmpf ogt, %get3A_120, %select_n3A_109 : vector<16xf32>
      %select_n3A_125 = arith.select %gt3A_124, %get3A_120, %select_n3A_109 : vector<16xi1>, vector<16xf32>
      %select_n3A_126 = arith.select %gt3A_123, %select_n3A_112, %select_n3A_125 : vector<16xi1>, vector<16xf32>
      %select_n3A_127 = arith.select %gt3A_124, %broadcast_in_dim3A_122, %select_n3A_111 : vector<16xi1>, vector<16xi32>
      %select_n3A_128 = arith.select %gt3A_123, %select_n3A_113, %select_n3A_127 : vector<16xi1>, vector<16xi32>
      %select_n3A_129 = arith.select %gt3A_123, %get3A_120, %select_n3A_112 : vector<16xi1>, vector<16xf32>
      %select_n3A_130 = arith.select %gt3A_123, %broadcast_in_dim3A_122, %select_n3A_113 : vector<16xi1>, vector<16xi32>
      %mul3A_131 = arith.constant 16 : i32
      %mul3A_132 = arith.muli %scan3A_11, %mul3A_131 : i32
      %get3A_133 = arith.constant 7 : i32
      %get3A_134 = arith.index_cast %get3A_133 : i32 to index
      %get3A_135 = arith.index_cast %mul3A_132 : i32 to index
      %get3A_136 = tpu.vector_load %arg5[%get3A_134, %get3A_135] {strides = array<i32>} : memref<16x512xf32, #tpu.memory_space<vmem>>, vector<1x16xf32>,
      %get3A_137 = vector.shape_cast %get3A_136 : vector<1x16xf32> to vector<16xf32>
      %broadcast_in_dim3A_138 = arith.constant 7 : i32
      %broadcast_in_dim3A_139 = vector.broadcast %broadcast_in_dim3A_138 : i32 to vector<16xi32>
      %gt3A_140 = arith.cmpf ogt, %get3A_137, %select_n3A_129 : vector<16xf32>
      %gt3A_141 = arith.cmpf ogt, %get3A_137, %select_n3A_126 : vector<16xf32>
      %select_n3A_142 = arith.select %gt3A_141, %get3A_137, %select_n3A_126 : vector<16xi1>, vector<16xf32>
      %select_n3A_143 = arith.select %gt3A_140, %select_n3A_129, %select_n3A_142 : vector<16xi1>, vector<16xf32>
      %select_n3A_144 = arith.select %gt3A_141, %broadcast_in_dim3A_139, %select_n3A_128 : vector<16xi1>, vector<16xi32>
      %select_n3A_145 = arith.select %gt3A_140, %select_n3A_130, %select_n3A_144 : vector<16xi1>, vector<16xi32>
      %select_n3A_146 = arith.select %gt3A_140, %get3A_137, %select_n3A_129 : vector<16xi1>, vector<16xf32>
      %select_n3A_147 = arith.select %gt3A_140, %broadcast_in_dim3A_139, %select_n3A_130 : vector<16xi1>, vector<16xi32>
      %mul3A_148 = arith.constant 16 : i32
      %mul3A_149 = arith.muli %scan3A_11, %mul3A_148 : i32
      %get3A_150 = arith.constant 8 : i32
      %get3A_151 = arith.index_cast %get3A_150 : i32 to index
      %get3A_152 = arith.index_cast %mul3A_149 : i32 to index
      %get3A_153 = tpu.vector_load %arg5[%get3A_151, %get3A_152] {strides = array<i32>} : memref<16x512xf32, #tpu.memory_space<vmem>>, vector<1x16xf32>,
      %get3A_154 = vector.shape_cast %get3A_153 : vector<1x16xf32> to vector<16xf32>
      %broadcast_in_dim3A_155 = arith.constant 8 : i32
      %broadcast_in_dim3A_156 = vector.broadcast %broadcast_in_dim3A_155 : i32 to vector<16xi32>
      %gt3A_157 = arith.cmpf ogt, %get3A_154, %select_n3A_146 : vector<16xf32>
      %gt3A_158 = arith.cmpf ogt, %get3A_154, %select_n3A_143 : vector<16xf32>
      %select_n3A_159 = arith.select %gt3A_158, %get3A_154, %select_n3A_143 : vector<16xi1>, vector<16xf32>
      %select_n3A_160 = arith.select %gt3A_157, %select_n3A_146, %select_n3A_159 : vector<16xi1>, vector<16xf32>
      %select_n3A_161 = arith.select %gt3A_158, %broadcast_in_dim3A_156, %select_n3A_145 : vector<16xi1>, vector<16xi32>
      %select_n3A_162 = arith.select %gt3A_157, %select_n3A_147, %select_n3A_161 : vector<16xi1>, vector<16xi32>
      %select_n3A_163 = arith.select %gt3A_157, %get3A_154, %select_n3A_146 : vector<16xi1>, vector<16xf32>
      %select_n3A_164 = arith.select %gt3A_157, %broadcast_in_dim3A_156, %select_n3A_147 : vector<16xi1>, vector<16xi32>
      %mul3A_165 = arith.constant 16 : i32
      %mul3A_166 = arith.muli %scan3A_11, %mul3A_165 : i32
      %get3A_167 = arith.constant 9 : i32
      %get3A_168 = arith.index_cast %get3A_167 : i32 to index
      %get3A_169 = arith.index_cast %mul3A_166 : i32 to index
      %get3A_170 = tpu.vector_load %arg5[%get3A_168, %get3A_169] {strides = array<i32>} : memref<16x512xf32, #tpu.memory_space<vmem>>, vector<1x16xf32>,
      %get3A_171 = vector.shape_cast %get3A_170 : vector<1x16xf32> to vector<16xf32>
      %broadcast_in_dim3A_172 = arith.constant 9 : i32
      %broadcast_in_dim3A_173 = vector.broadcast %broadcast_in_dim3A_172 : i32 to vector<16xi32>
      %gt3A_174 = arith.cmpf ogt, %get3A_171, %select_n3A_163 : vector<16xf32>
      %gt3A_175 = arith.cmpf ogt, %get3A_171, %select_n3A_160 : vector<16xf32>
      %select_n3A_176 = arith.select %gt3A_175, %get3A_171, %select_n3A_160 : vector<16xi1>, vector<16xf32>
      %select_n3A_177 = arith.select %gt3A_174, %select_n3A_163, %select_n3A_176 : vector<16xi1>, vector<16xf32>
      %select_n3A_178 = arith.select %gt3A_175, %broadcast_in_dim3A_173, %select_n3A_162 : vector<16xi1>, vector<16xi32>
      %select_n3A_179 = arith.select %gt3A_174, %select_n3A_164, %select_n3A_178 : vector<16xi1>, vector<16xi32>
      %select_n3A_180 = arith.select %gt3A_174, %get3A_171, %select_n3A_163 : vector<16xi1>, vector<16xf32>
      %select_n3A_181 = arith.select %gt3A_174, %broadcast_in_dim3A_173, %select_n3A_164 : vector<16xi1>, vector<16xi32>
      %mul3A_182 = arith.constant 16 : i32
      %mul3A_183 = arith.muli %scan3A_11, %mul3A_182 : i32
      %get3A_184 = arith.constant 10 : i32
      %get3A_185 = arith.index_cast %get3A_184 : i32 to index
      %get3A_186 = arith.index_cast %mul3A_183 : i32 to index
      %get3A_187 = tpu.vector_load %arg5[%get3A_185, %get3A_186] {strides = array<i32>} : memref<16x512xf32, #tpu.memory_space<vmem>>, vector<1x16xf32>,
      %get3A_188 = vector.shape_cast %get3A_187 : vector<1x16xf32> to vector<16xf32>
      %broadcast_in_dim3A_189 = arith.constant 10 : i32
      %broadcast_in_dim3A_190 = vector.broadcast %broadcast_in_dim3A_189 : i32 to vector<16xi32>
      %gt3A_191 = arith.cmpf ogt, %get3A_188, %select_n3A_180 : vector<16xf32>
      %gt3A_192 = arith.cmpf ogt, %get3A_188, %select_n3A_177 : vector<16xf32>
      %select_n3A_193 = arith.select %gt3A_192, %get3A_188, %select_n3A_177 : vector<16xi1>, vector<16xf32>
      %select_n3A_194 = arith.select %gt3A_191, %select_n3A_180, %select_n3A_193 : vector<16xi1>, vector<16xf32>
      %select_n3A_195 = arith.select %gt3A_192, %broadcast_in_dim3A_190, %select_n3A_179 : vector<16xi1>, vector<16xi32>
      %select_n3A_196 = arith.select %gt3A_191, %select_n3A_181, %select_n3A_195 : vector<16xi1>, vector<16xi32>
      %select_n3A_197 = arith.select %gt3A_191, %get3A_188, %select_n3A_180 : vector<16xi1>, vector<16xf32>
      %select_n3A_198 = arith.select %gt3A_191, %broadcast_in_dim3A_190, %select_n3A_181 : vector<16xi1>, vector<16xi32>
      %mul3A_199 = arith.constant 16 : i32
      %mul3A_200 = arith.muli %scan3A_11, %mul3A_199 : i32
      %get3A_201 = arith.constant 11 : i32
      %get3A_202 = arith.index_cast %get3A_201 : i32 to index
      %get3A_203 = arith.index_cast %mul3A_200 : i32 to index
      %get3A_204 = tpu.vector_load %arg5[%get3A_202, %get3A_203] {strides = array<i32>} : memref<16x512xf32, #tpu.memory_space<vmem>>, vector<1x16xf32>,
      %get3A_205 = vector.shape_cast %get3A_204 : vector<1x16xf32> to vector<16xf32>
      %broadcast_in_dim3A_206 = arith.constant 11 : i32
      %broadcast_in_dim3A_207 = vector.broadcast %broadcast_in_dim3A_206 : i32 to vector<16xi32>
      %gt3A_208 = arith.cmpf ogt, %get3A_205, %select_n3A_197 : vector<16xf32>
      %gt3A_209 = arith.cmpf ogt, %get3A_205, %select_n3A_194 : vector<16xf32>
      %select_n3A_210 = arith.select %gt3A_209, %get3A_205, %select_n3A_194 : vector<16xi1>, vector<16xf32>
      %select_n3A_211 = arith.select %gt3A_208, %select_n3A_197, %select_n3A_210 : vector<16xi1>, vector<16xf32>
      %select_n3A_212 = arith.select %gt3A_209, %broadcast_in_dim3A_207, %select_n3A_196 : vector<16xi1>, vector<16xi32>
      %select_n3A_213 = arith.select %gt3A_208, %select_n3A_198, %select_n3A_212 : vector<16xi1>, vector<16xi32>
      %select_n3A_214 = arith.select %gt3A_208, %get3A_205, %select_n3A_197 : vector<16xi1>, vector<16xf32>
      %select_n3A_215 = arith.select %gt3A_208, %broadcast_in_dim3A_207, %select_n3A_198 : vector<16xi1>, vector<16xi32>
      %mul3A_216 = arith.constant 16 : i32
      %mul3A_217 = arith.muli %scan3A_11, %mul3A_216 : i32
      %get3A_218 = arith.constant 12 : i32
      %get3A_219 = arith.index_cast %get3A_218 : i32 to index
      %get3A_220 = arith.index_cast %mul3A_217 : i32 to index
      %get3A_221 = tpu.vector_load %arg5[%get3A_219, %get3A_220] {strides = array<i32>} : memref<16x512xf32, #tpu.memory_space<vmem>>, vector<1x16xf32>,
      %get3A_222 = vector.shape_cast %get3A_221 : vector<1x16xf32> to vector<16xf32>
      %broadcast_in_dim3A_223 = arith.constant 12 : i32
      %broadcast_in_dim3A_224 = vector.broadcast %broadcast_in_dim3A_223 : i32 to vector<16xi32>
      %gt3A_225 = arith.cmpf ogt, %get3A_222, %select_n3A_214 : vector<16xf32>
      %gt3A_226 = arith.cmpf ogt, %get3A_222, %select_n3A_211 : vector<16xf32>
      %select_n3A_227 = arith.select %gt3A_226, %get3A_222, %select_n3A_211 : vector<16xi1>, vector<16xf32>
      %select_n3A_228 = arith.select %gt3A_225, %select_n3A_214, %select_n3A_227 : vector<16xi1>, vector<16xf32>
      %select_n3A_229 = arith.select %gt3A_226, %broadcast_in_dim3A_224, %select_n3A_213 : vector<16xi1>, vector<16xi32>
      %select_n3A_230 = arith.select %gt3A_225, %select_n3A_215, %select_n3A_229 : vector<16xi1>, vector<16xi32>
      %select_n3A_231 = arith.select %gt3A_225, %get3A_222, %select_n3A_214 : vector<16xi1>, vector<16xf32>
      %select_n3A_232 = arith.select %gt3A_225, %broadcast_in_dim3A_224, %select_n3A_215 : vector<16xi1>, vector<16xi32>
      %mul3A_233 = arith.constant 16 : i32
      %mul3A_234 = arith.muli %scan3A_11, %mul3A_233 : i32
      %get3A_235 = arith.constant 13 : i32
      %get3A_236 = arith.index_cast %get3A_235 : i32 to index
      %get3A_237 = arith.index_cast %mul3A_234 : i32 to index
      %get3A_238 = tpu.vector_load %arg5[%get3A_236, %get3A_237] {strides = array<i32>} : memref<16x512xf32, #tpu.memory_space<vmem>>, vector<1x16xf32>,
      %get3A_239 = vector.shape_cast %get3A_238 : vector<1x16xf32> to vector<16xf32>
      %broadcast_in_dim3A_240 = arith.constant 13 : i32
      %broadcast_in_dim3A_241 = vector.broadcast %broadcast_in_dim3A_240 : i32 to vector<16xi32>
      %gt3A_242 = arith.cmpf ogt, %get3A_239, %select_n3A_231 : vector<16xf32>
      %gt3A_243 = arith.cmpf ogt, %get3A_239, %select_n3A_228 : vector<16xf32>
      %select_n3A_244 = arith.select %gt3A_243, %get3A_239, %select_n3A_228 : vector<16xi1>, vector<16xf32>
      %select_n3A_245 = arith.select %gt3A_242, %select_n3A_231, %select_n3A_244 : vector<16xi1>, vector<16xf32>
      %select_n3A_246 = arith.select %gt3A_243, %broadcast_in_dim3A_241, %select_n3A_230 : vector<16xi1>, vector<16xi32>
      %select_n3A_247 = arith.select %gt3A_242, %select_n3A_232, %select_n3A_246 : vector<16xi1>, vector<16xi32>
      %select_n3A_248 = arith.select %gt3A_242, %get3A_239, %select_n3A_231 : vector<16xi1>, vector<16xf32>
      %select_n3A_249 = arith.select %gt3A_242, %broadcast_in_dim3A_241, %select_n3A_232 : vector<16xi1>, vector<16xi32>
      %mul3A_250 = arith.constant 16 : i32
      %mul3A_251 = arith.muli %scan3A_11, %mul3A_250 : i32
      %get3A_252 = arith.constant 14 : i32
      %get3A_253 = arith.index_cast %get3A_252 : i32 to index
      %get3A_254 = arith.index_cast %mul3A_251 : i32 to index
      %get3A_255 = tpu.vector_load %arg5[%get3A_253, %get3A_254] {strides = array<i32>} : memref<16x512xf32, #tpu.memory_space<vmem>>, vector<1x16xf32>,
      %get3A_256 = vector.shape_cast %get3A_255 : vector<1x16xf32> to vector<16xf32>
      %broadcast_in_dim3A_257 = arith.constant 14 : i32
      %broadcast_in_dim3A_258 = vector.broadcast %broadcast_in_dim3A_257 : i32 to vector<16xi32>
      %gt3A_259 = arith.cmpf ogt, %get3A_256, %select_n3A_248 : vector<16xf32>
      %gt3A_260 = arith.cmpf ogt, %get3A_256, %select_n3A_245 : vector<16xf32>
      %select_n3A_261 = arith.select %gt3A_260, %get3A_256, %select_n3A_245 : vector<16xi1>, vector<16xf32>
      %select_n3A_262 = arith.select %gt3A_259, %select_n3A_248, %select_n3A_261 : vector<16xi1>, vector<16xf32>
      %select_n3A_263 = arith.select %gt3A_260, %broadcast_in_dim3A_258, %select_n3A_247 : vector<16xi1>, vector<16xi32>
      %select_n3A_264 = arith.select %gt3A_259, %select_n3A_249, %select_n3A_263 : vector<16xi1>, vector<16xi32>
      %select_n3A_265 = arith.select %gt3A_259, %get3A_256, %select_n3A_248 : vector<16xi1>, vector<16xf32>
      %select_n3A_266 = arith.select %gt3A_259, %broadcast_in_dim3A_258, %select_n3A_249 : vector<16xi1>, vector<16xi32>
      %mul3A_267 = arith.constant 16 : i32
      %mul3A_268 = arith.muli %scan3A_11, %mul3A_267 : i32
      %get3A_269 = arith.constant 15 : i32
      %get3A_270 = arith.index_cast %get3A_269 : i32 to index
      %get3A_271 = arith.index_cast %mul3A_268 : i32 to index
      %get3A_272 = tpu.vector_load %arg5[%get3A_270, %get3A_271] {strides = array<i32>} : memref<16x512xf32, #tpu.memory_space<vmem>>, vector<1x16xf32>,
      %get3A_273 = vector.shape_cast %get3A_272 : vector<1x16xf32> to vector<16xf32>
      %broadcast_in_dim3A_274 = arith.constant 15 : i32
      %broadcast_in_dim3A_275 = vector.broadcast %broadcast_in_dim3A_274 : i32 to vector<16xi32>
      %gt3A_276 = arith.cmpf ogt, %get3A_273, %select_n3A_265 : vector<16xf32>
      %gt3A_277 = arith.cmpf ogt, %get3A_273, %select_n3A_262 : vector<16xf32>
      %select_n3A_278 = arith.select %gt3A_277, %get3A_273, %select_n3A_262 : vector<16xi1>, vector<16xf32>
      %select_n3A_279 = arith.select %gt3A_276, %select_n3A_265, %select_n3A_278 : vector<16xi1>, vector<16xf32>
      %select_n3A_280 = arith.select %gt3A_277, %broadcast_in_dim3A_275, %select_n3A_264 : vector<16xi1>, vector<16xi32>
      %select_n3A_281 = arith.select %gt3A_276, %select_n3A_266, %select_n3A_280 : vector<16xi1>, vector<16xi32>
      %select_n3A_282 = arith.select %gt3A_276, %get3A_273, %select_n3A_265 : vector<16xi1>, vector<16xf32>
      %select_n3A_283 = arith.select %gt3A_276, %broadcast_in_dim3A_275, %select_n3A_266 : vector<16xi1>, vector<16xi32>
      %sub3A = arith.subf %select_n3A_279, %select_n3A_282 : vector<16xf32>
      %exp3A = math.exp %sub3A : vector<16xf32>
      %add3A_284 = arith.constant 1.000000e+00 : f32
      %add3A_285 = vector.broadcast %add3A_284 : f32 to vector<16xf32>
      %add3A_286 = arith.addf %add3A_285, %exp3A : vector<16xf32>
      %div3A = arith.constant 1.000000e+00 : f32
      %div3A_287 = vector.broadcast %div3A : f32 to vector<16xf32>
      %div3A_288 = arith.divf %div3A_287, %add3A_286 : vector<16xf32>
      %sub3A_289 = arith.constant 1.000000e+00 : f32
      %sub3A_290 = vector.broadcast %sub3A_289 : f32 to vector<16xf32>
      %sub3A_291 = arith.subf %sub3A_290, %div3A_288 : vector<16xf32>
      %mul3A_292 = arith.constant 16 : i32
      %mul3A_293 = arith.muli %scan3A_11, %mul3A_292 : i32
      %swap3A = arith.index_cast %mul3A_293 : i32 to index
      %swap3A_294 = tpu.vector_load %arg6[%swap3A] {strides = array<i32>} : memref<512xi32, #tpu.memory_space<vmem>>, vector<16xi32>,
      %swap3A_295 = vector.shape_cast %swap3A_294 : vector<16xi32> to vector<16xi32>
      %swap3A_296 = vector.shape_cast %select_n3A_283 : vector<16xi32> to vector<16xi32>
      tpu.vector_store %arg6[%swap3A], %swap3A_296 {strides = array<i32>} : memref<512xi32, #tpu.memory_space<vmem>>, vector<16xi32>,
      %swap3A_297 = arith.index_cast %mul3A_293 : i32 to index
      %swap3A_298 = tpu.vector_load %arg7[%swap3A_297] {strides = array<i32>} : memref<512xi32, #tpu.memory_space<vmem>>, vector<16xi32>,
      %swap3A_299 = vector.shape_cast %swap3A_298 : vector<16xi32> to vector<16xi32>
      %swap3A_300 = vector.shape_cast %select_n3A_281 : vector<16xi32> to vector<16xi32>
      tpu.vector_store %arg7[%swap3A_297], %swap3A_300 {strides = array<i32>} : memref<512xi32, #tpu.memory_space<vmem>>, vector<16xi32>,
      %swap3A_301 = arith.index_cast %mul3A_293 : i32 to index
      %swap3A_302 = tpu.vector_load %arg8[%swap3A_301] {strides = array<i32>} : memref<512xf32, #tpu.memory_space<vmem>>, vector<16xf32>,
      %swap3A_303 = vector.shape_cast %swap3A_302 : vector<16xf32> to vector<16xf32>
      %swap3A_304 = vector.shape_cast %div3A_288 : vector<16xf32> to vector<16xf32>
      tpu.vector_store %arg8[%swap3A_301], %swap3A_304 {strides = array<i32>} : memref<512xf32, #tpu.memory_space<vmem>>, vector<16xf32>,
      %swap3A_305 = arith.index_cast %mul3A_293 : i32 to index
      %swap3A_306 = tpu.vector_load %arg9[%swap3A_305] {strides = array<i32>} : memref<512xf32, #tpu.memory_space<vmem>>, vector<16xf32>,
      %swap3A_307 = vector.shape_cast %swap3A_306 : vector<16xf32> to vector<16xf32>
      %swap3A_308 = vector.shape_cast %sub3A_291 : vector<16xf32> to vector<16xf32>
      tpu.vector_store %arg9[%swap3A_305], %swap3A_308 {strides = array<i32>} : memref<512xf32, #tpu.memory_space<vmem>>, vector<16xf32>,
    }
    %scan3A_7 = arith.constant 32 : i32
    %run_scoped3A = arith.constant 0 : i32
    "tpu.region"() ({
      %run_scoped3A_11 = tpu.sem_alloc : memref<!tpu.dma_semaphore, #tpu.memory_space<semaphore_mem>>
      %dma_start3A = tpu.memref_slice %arg3[%run_scoped3A, %mul3A_2] : memref<2x16384xi32, #tpu.memory_space<hbm>> -> memref<1x512xi32, #tpu.memory_space<hbm>>
      %dma_start3A_12 = tpu.memref_squeeze %dma_start3A : memref<1x512xi32, #tpu.memory_space<hbm>> -> memref<512xi32, #tpu.memory_space<hbm>>
      %dma_start3A_13 = tpu.memref_slice %arg3[%run_scoped3A, %mul3A_2] : memref<2x16384xi32, #tpu.memory_space<hbm>> -> memref<1x512xi32, #tpu.memory_space<hbm>>
      %dma_start3A_14 = tpu.memref_squeeze %dma_start3A_13 : memref<1x512xi32, #tpu.memory_space<hbm>> -> memref<512xi32, #tpu.memory_space<hbm>>
      tpu.enqueue_dma source(%arg6 : memref<512xi32, #tpu.memory_space<vmem>>) target(%dma_start3A_14 : memref<512xi32, #tpu.memory_space<hbm>>) target_semaphore(%run_scoped3A_11 : memref<!tpu.dma_semaphore, #tpu.memory_space<semaphore_mem>>)
      %dma_wait3A = tpu.memref_slice %arg3[%run_scoped3A, %mul3A_2] : memref<2x16384xi32, #tpu.memory_space<hbm>> -> memref<1x512xi32, #tpu.memory_space<hbm>>
      %dma_wait3A_15 = tpu.memref_squeeze %dma_wait3A : memref<1x512xi32, #tpu.memory_space<hbm>> -> memref<512xi32, #tpu.memory_space<hbm>>
      %dma_wait3A_16 = tpu.memref_slice %arg3[%run_scoped3A, %mul3A_2] : memref<2x16384xi32, #tpu.memory_space<hbm>> -> memref<1x512xi32, #tpu.memory_space<hbm>>
      %dma_wait3A_17 = tpu.memref_squeeze %dma_wait3A_16 : memref<1x512xi32, #tpu.memory_space<hbm>> -> memref<512xi32, #tpu.memory_space<hbm>>
      tpu.wait_dma2 semaphore(%run_scoped3A_11 : memref<!tpu.dma_semaphore, #tpu.memory_space<semaphore_mem>>) src(%arg6 : memref<512xi32, #tpu.memory_space<vmem>>) dst(%dma_wait3A_17 : memref<512xi32, #tpu.memory_space<hbm>>)
      tpu.yield
    }) : () -> ()
    %run_scoped3A_8 = arith.constant 1 : i32
    "tpu.region"() ({
      %run_scoped3A_11 = tpu.sem_alloc : memref<!tpu.dma_semaphore, #tpu.memory_space<semaphore_mem>>
      %dma_start3A = tpu.memref_slice %arg3[%run_scoped3A_8, %mul3A_2] : memref<2x16384xi32, #tpu.memory_space<hbm>> -> memref<1x512xi32, #tpu.memory_space<hbm>>
      %dma_start3A_12 = tpu.memref_squeeze %dma_start3A : memref<1x512xi32, #tpu.memory_space<hbm>> -> memref<512xi32, #tpu.memory_space<hbm>>
      %dma_start3A_13 = tpu.memref_slice %arg3[%run_scoped3A_8, %mul3A_2] : memref<2x16384xi32, #tpu.memory_space<hbm>> -> memref<1x512xi32, #tpu.memory_space<hbm>>
      %dma_start3A_14 = tpu.memref_squeeze %dma_start3A_13 : memref<1x512xi32, #tpu.memory_space<hbm>> -> memref<512xi32, #tpu.memory_space<hbm>>
      tpu.enqueue_dma source(%arg7 : memref<512xi32, #tpu.memory_space<vmem>>) target(%dma_start3A_14 : memref<512xi32, #tpu.memory_space<hbm>>) target_semaphore(%run_scoped3A_11 : memref<!tpu.dma_semaphore, #tpu.memory_space<semaphore_mem>>)
      %dma_wait3A = tpu.memref_slice %arg3[%run_scoped3A_8, %mul3A_2] : memref<2x16384xi32, #tpu.memory_space<hbm>> -> memref<1x512xi32, #tpu.memory_space<hbm>>
      %dma_wait3A_15 = tpu.memref_squeeze %dma_wait3A : memref<1x512xi32, #tpu.memory_space<hbm>> -> memref<512xi32, #tpu.memory_space<hbm>>
      %dma_wait3A_16 = tpu.memref_slice %arg3[%run_scoped3A_8, %mul3A_2] : memref<2x16384xi32, #tpu.memory_space<hbm>> -> memref<1x512xi32, #tpu.memory_space<hbm>>
      %dma_wait3A_17 = tpu.memref_squeeze %dma_wait3A_16 : memref<1x512xi32, #tpu.memory_space<hbm>> -> memref<512xi32, #tpu.memory_space<hbm>>
      tpu.wait_dma2 semaphore(%run_scoped3A_11 : memref<!tpu.dma_semaphore, #tpu.memory_space<semaphore_mem>>) src(%arg7 : memref<512xi32, #tpu.memory_space<vmem>>) dst(%dma_wait3A_17 : memref<512xi32, #tpu.memory_space<hbm>>)
      tpu.yield
    }) : () -> ()
    %run_scoped3A_9 = arith.constant 0 : i32
    "tpu.region"() ({
      %run_scoped3A_11 = tpu.sem_alloc : memref<!tpu.dma_semaphore, #tpu.memory_space<semaphore_mem>>
      %dma_start3A = tpu.memref_slice %arg4[%run_scoped3A_9, %mul3A_2] : memref<2x16384xf32, #tpu.memory_space<hbm>> -> memref<1x512xf32, #tpu.memory_space<hbm>>
      %dma_start3A_12 = tpu.memref_squeeze %dma_start3A : memref<1x512xf32, #tpu.memory_space<hbm>> -> memref<512xf32, #tpu.memory_space<hbm>>
      %dma_start3A_13 = tpu.memref_slice %arg4[%run_scoped3A_9, %mul3A_2] : memref<2x16384xf32, #tpu.memory_space<hbm>> -> memref<1x512xf32, #tpu.memory_space<hbm>>
      %dma_start3A_14 = tpu.memref_squeeze %dma_start3A_13 : memref<1x512xf32, #tpu.memory_space<hbm>> -> memref<512xf32, #tpu.memory_space<hbm>>
      tpu.enqueue_dma source(%arg8 : memref<512xf32, #tpu.memory_space<vmem>>) target(%dma_start3A_14 : memref<512xf32, #tpu.memory_space<hbm>>) target_semaphore(%run_scoped3A_11 : memref<!tpu.dma_semaphore, #tpu.memory_space<semaphore_mem>>)
      %dma_wait3A = tpu.memref_slice %arg4[%run_scoped3A_9, %mul3A_2] : memref<2x16384xf32, #tpu.memory_space<hbm>> -> memref<1x512xf32, #tpu.memory_space<hbm>>
      %dma_wait3A_15 = tpu.memref_squeeze %dma_wait3A : memref<1x512xf32, #tpu.memory_space<hbm>> -> memref<512xf32, #tpu.memory_space<hbm>>
      %dma_wait3A_16 = tpu.memref_slice %arg4[%run_scoped3A_9, %mul3A_2] : memref<2x16384xf32, #tpu.memory_space<hbm>> -> memref<1x512xf32, #tpu.memory_space<hbm>>
      %dma_wait3A_17 = tpu.memref_squeeze %dma_wait3A_16 : memref<1x512xf32, #tpu.memory_space<hbm>> -> memref<512xf32, #tpu.memory_space<hbm>>
      tpu.wait_dma2 semaphore(%run_scoped3A_11 : memref<!tpu.dma_semaphore, #tpu.memory_space<semaphore_mem>>) src(%arg8 : memref<512xf32, #tpu.memory_space<vmem>>) dst(%dma_wait3A_17 : memref<512xf32, #tpu.memory_space<hbm>>)
      tpu.yield
    }) : () -> ()
    %run_scoped3A_10 = arith.constant 1 : i32
    "tpu.region"() ({
      %run_scoped3A_11 = tpu.sem_alloc : memref<!tpu.dma_semaphore, #tpu.memory_space<semaphore_mem>>
      %dma_start3A = tpu.memref_slice %arg4[%run_scoped3A_10, %mul3A_2] : memref<2x16384xf32, #tpu.memory_space<hbm>> -> memref<1x512xf32, #tpu.memory_space<hbm>>
      %dma_start3A_12 = tpu.memref_squeeze %dma_start3A : memref<1x512xf32, #tpu.memory_space<hbm>> -> memref<512xf32, #tpu.memory_space<hbm>>
      %dma_start3A_13 = tpu.memref_slice %arg4[%run_scoped3A_10, %mul3A_2] : memref<2x16384xf32, #tpu.memory_space<hbm>> -> memref<1x512xf32, #tpu.memory_space<hbm>>
      %dma_start3A_14 = tpu.memref_squeeze %dma_start3A_13 : memref<1x512xf32, #tpu.memory_space<hbm>> -> memref<512xf32, #tpu.memory_space<hbm>>
      tpu.enqueue_dma source(%arg9 : memref<512xf32, #tpu.memory_space<vmem>>) target(%dma_start3A_14 : memref<512xf32, #tpu.memory_space<hbm>>) target_semaphore(%run_scoped3A_11 : memref<!tpu.dma_semaphore, #tpu.memory_space<semaphore_mem>>)
      %dma_wait3A = tpu.memref_slice %arg4[%run_scoped3A_10, %mul3A_2] : memref<2x16384xf32, #tpu.memory_space<hbm>> -> memref<1x512xf32, #tpu.memory_space<hbm>>
      %dma_wait3A_15 = tpu.memref_squeeze %dma_wait3A : memref<1x512xf32, #tpu.memory_space<hbm>> -> memref<512xf32, #tpu.memory_space<hbm>>
      %dma_wait3A_16 = tpu.memref_slice %arg4[%run_scoped3A_10, %mul3A_2] : memref<2x16384xf32, #tpu.memory_space<hbm>> -> memref<1x512xf32, #tpu.memory_space<hbm>>
      %dma_wait3A_17 = tpu.memref_squeeze %dma_wait3A_16 : memref<1x512xf32, #tpu.memory_space<hbm>> -> memref<512xf32, #tpu.memory_space<hbm>>
      tpu.wait_dma2 semaphore(%run_scoped3A_11 : memref<!tpu.dma_semaphore, #tpu.memory_space<semaphore_mem>>) src(%arg9 : memref<512xf32, #tpu.memory_space<vmem>>) dst(%dma_wait3A_17 : memref<512xf32, #tpu.memory_space<hbm>>)
      tpu.yield
    }) : () -> ()
    return
  }
}

module attributes {stable_mosaic.version = 14 : i64} {
  func.func @_tc_body(%arg0: i32, %arg1: memref<1024x2048xf32, #tpu.memory_space<vmem>>, %arg2: memref<16x2048xf32, #tpu.memory_space<vmem>>, %arg3: memref<16x1024xf32, #tpu.memory_space<vmem>>) attributes {dimension_semantics = [#tpu.dimension_semantics<arbitrary>], iteration_bounds = array<i64: 16>, scalar_prefetch = 0 : i64, scratch_operands = 0 : i64, tpu.core_type = #tpu.core_type<tc>, window_params = [{transform_indices = @transform_0, window_bounds = array<i64: 1024, 2048>}, {pipeline_mode = #tpu.pipeline_mode<synchronous>, transform_indices = @transform_1, window_bounds = array<i64: 16, 2048>}, {transform_indices = @transform_2, window_bounds = array<i64: 16, 1024>}]} {
    %get3A = arith.constant 0 : index
    %get3A_0 = arith.constant 0 : index
    %get3A_1 = vector.load %arg2[%get3A, %get3A_0] : memref<16x2048xf32, #tpu.memory_space<vmem>>, vector<16x2048xf32>
    %get3A_2 = arith.constant 0 : index
    %get3A_3 = arith.constant 0 : index
    %get3A_4 = vector.load %arg1[%get3A_2, %get3A_3] : memref<1024x2048xf32, #tpu.memory_space<vmem>>, vector<1024x2048xf32>
    %dot_general3A = arith.constant dense<0.000000e+00> : vector<16x1024xf32>
    %dot_general3A_5 = tpu.matmul %get3A_1, %get3A_4, %dot_general3A {dimension_numbers = #tpu.dot_dimension_numbers<[1], [1], [0], [0], [0, 0, 1, 0], [], []>, transpose_lhs_hint = false} : vector<16x2048xf32>, vector<1024x2048xf32>, vector<16x1024xf32> -> vector<16x1024xf32>
    %swap3A = arith.constant 0 : index
    %swap3A_6 = arith.constant 0 : index
    %swap3A_7 = vector.load %arg3[%swap3A, %swap3A_6] : memref<16x1024xf32, #tpu.memory_space<vmem>>, vector<16x1024xf32>
    tpu.vector_store %arg3[%swap3A, %swap3A_6], %dot_general3A_5 {strides = array<i32>} : memref<16x1024xf32, #tpu.memory_space<vmem>>, vector<16x1024xf32>,
    return
  }
  func.func @transform_0(%arg0: i32) -> (i32, i32) {
    %c0_i32 = arith.constant 0 : i32
    %c0_i32_0 = arith.constant 0 : i32
    return %arg0, %c0_i32 : i32, i32
  }
  func.func @transform_1(%arg0: i32) -> (i32, i32) {
    %c0_i32 = arith.constant 0 : i32
    %c0_i32_0 = arith.constant 0 : i32
    %c0_i32_1 = arith.constant 0 : i32
    return %c0_i32, %c0_i32_0 : i32, i32
  }
  func.func @transform_2(%arg0: i32) -> (i32, i32) {
    %c0_i32 = arith.constant 0 : i32
    %c0_i32_0 = arith.constant 0 : i32
    return %c0_i32, %arg0 : i32, i32
  }
}

</mosaic_0001>

<sc_bundles>
// kernel: kernel.4.cloned.1.call-start
scs
__scs_entry_jumppad:
0x0: {  	(pc) =	sbr.rel $0x88, $3  }
0x1: {  	(tag) =	ssettag $0x0;
	lr =	simm.s32 $0x1  }
0x2: {  	[smem:$0x3F9F] =	sst lr;
	_ =	strace $0xD0000000  }
0x3: {  	_ = 	snop  }
0x4: {  	_ = 	snop  }
0x5: {  	_ = 	snop  }
0x6: {  	_ = 	snop  }
0x7: {  	_ = 	snop  }
__scs_overlays_trampoline_lowered:
0x8: {  	[smem:$0x3FAE] =	sst s0  }
0x9: {  	[smem:$0x3FAF] =	sst s1  }
0xa: {  	[smem:$0x3FB0] =	sst s2  }
0xb: {  	[smem:$0x3FB1] =	sst s3  }
0xc: {  	[smem:$0x3FB2] =	sst s4  }
0xd: {  	[smem:$0x3FB3] =	sst s5  }
0xe: {  	[smem:$0x3FB4] =	sst s6  }
0xf: {  	[smem:$0x3FB5] =	sst s7  }
0x10: {  	[smem:$0x3FB6] =	sst s8  }
0x11: {  	[smem:$0x3FB7] =	sst s9;
	s0 =	simm.s32 @!p0 $0x0  }
0x12: {  	s1 =	sld [smem:$0x3F9D];
	s0 =	simm.s32 @p0 $0x1  }
0x13: {  	[smem:$0x3FB8] =	sst s0;
	s0 =	simm.s32 @!p1 $0x0  }
0x14: {  	s2 =	sld [smem:$0x3F9C];
	s0 =	simm.s32 @p1 $0x1  }
0x15: {  	[smem:$0x3FB9] =	sst s0;
	s0 =	simm.s32 @!p2 $0x0  }
0x16: {  	s3 =	sld [smem:$0x3FDB];
	s0 =	simm.s32 @p2 $0x1  }
0x17: {  	s4 =	simm.s32 $0x1BF5;
	[smem:$0x3FBB] =	sst s0  }
0x18: {  	s0 =	sld [smem:$0x3F9E];
	_ =	swait.ge [sflag:s4], $0x0  }
0x19: {  	s7 =	sld [smem:$0x3F9F]  }
0x1a: {  	s8 =	sadd.s32 $0xFFFFE003, lr  }
0x1b: {  	s9 =	sadd.s32 $0xFFFFFEF7, lr;
	s5 =	simm.s32 $0xFFFFFFFF;
	p2 =	slt.u32 s8, $0xFFFFF086  }
0x1c: {  	p1 =	slt.u32 s9, $0xF7A;
	s5 =	simm.s32 @!p2 $0x0  }
0x1d: {  	s5 =	simm.s32 @p1 $0x1;
	p0 =	seq.s32 s7, s2  }
0x1e: {  	s7 =	smul.u32 @!p0 $0xF7A, s2;
	p2 =	seq.s32 @!p0 s5, $0x0  }
0x1f: {  	s9 =	smul.u32 $0xF7A, s1;
	s8 =	simm.s32 @!p0 $0x1BF5;
	p2 =	por !p2, p0  }
0x20: {  	[sflag:s8] =	ssyncset.s32 @!p0 $0xFFFFF086;
	s6 =	sadd.s32 @!p0 s3, s7;
	s7 =	simm.s32 @!p0 $0x108  }
0x21: {  	s3 =	sadd.s32 s3, s9;
	s6 =	sadd.s32 @!p0 $0x88, s6;
	s7 =	simm.s32 @p2 $0x1082  }
0x22: {  	[simem:s7], [sflag:s8] =	dma.local @!p0 [hbm:s6], $0xF7A  }
0x23: {  	s9 =	sor.u32 $0xD0000000, s2;
	s6 =	simm.s32 $0x108;
	_ =	swait.ge @!p0 [sflag:s8], $0x0  }
0x24: {  	s3 =	sadd.s32 $0x88, s3;
	s6 =	simm.s32 @!p1 $0x1082;
	[sflag:s4] =	ssyncset.s32 $0xFFFFF086  }
0x25: {  	[simem:s6], [sflag:s4] =	dma.local [hbm:s3], $0xF7A  }
0x26: {  	[smem:$0x3F9F] =	sst s1;
	(tag) =	ssettag s2;
	_ =	strace s9  }
0x27: {  	s1 =	sld [smem:$0x3FAF]  }
0x28: {  	s2 =	sld [smem:$0x3FB0]  }
0x29: {  	s4 =	sld [smem:$0x3FB2]  }
0x2a: {  	p0 =	seq.s32 s5, $0x0;
	s5 =	sld [smem:$0x3FB3]  }
0x2b: {  	s6 =	sld [smem:$0x3FB4]  }
0x2c: {  	s7 =	sld [smem:$0x3FB5]  }
0x2d: {  	s3 =	simm.s32 $0x108;
	s8 =	sld [smem:$0x3FB6]  }
0x2e: {  	s3 =	simm.s32 @!p0 $0x1082;
	s9 =	sld [smem:$0x3FB7]  }
0x2f: {  	lr =	sadd.s32 s0, s3;
	s0 =	sld [smem:$0x3FAE]  }
0x30: {  	s3 =	sld [smem:$0x3FB1]  }
0x31: {  	[smem:$0x3FBA] =	sst s10  }
0x32: {  	s10 =	sld [smem:$0x3FB8];
	_ =	sdelay $0x3  }
0x33: {  	p0 =	seq.s32 s10, $0x1;
	s10 =	sld [smem:$0x3FBA];
	_ =	sdelay $0x3  }
0x34: {  	[smem:$0x3FBA] =	sst s10  }
0x35: {  	s10 =	sld [smem:$0x3FB9];
	_ =	sdelay $0x3  }
0x36: {  	p1 =	seq.s32 s10, $0x1;
	s10 =	sld [smem:$0x3FBA];
	_ =	sdelay $0x3  }
0x37: {  	[smem:$0x3FBA] =	sst s10  }
0x38: {  	s10 =	sld [smem:$0x3FBB]  }
0x39: {  	_ = 	snop;
	(pc) =	sbr.ind lr, $3  }
0x3a: {  	_ = 	snop  }
0x3b: {  	_ = 	snop  }
0x3c: {  	p2 =	seq.s32 s10, $0x1;
	s10 =	sld [smem:$0x3FBA]  }
0x3d: {  	_ =	shalt  }
0x3e: {  	_ =	shalt  }
0x3f: {  	_ =	shalt  }
0x40: {  	_ =	shalt  }
0x41: {  	_ =	shalt  }
0x42: {  	_ =	shalt  }
0x43: {  	_ =	shalt  }
0x44: {  	_ =	shalt  }
0x45: {  	_ =	shalt  }
0x46: {  	_ =	shalt  }
0x47: {  	_ =	shalt  }
0x48: {  	_ =	shalt  }
0x49: {  	_ =	shalt  }
0x4a: {  	_ =	shalt  }
0x4b: {  	_ =	shalt  }
0x4c: {  	_ =	shalt  }
0x4d: {  	_ =	shalt  }
0x4e: {  	_ =	shalt  }
0x4f: {  	_ =	shalt  }
0x50: {  	_ =	shalt  }
0x51: {  	_ =	shalt  }
0x52: {  	_ =	shalt  }
0x53: {  	_ =	shalt  }
0x54: {  	_ =	shalt  }
0x55: {  	_ =	shalt  }
0x56: {  	_ =	shalt  }
0x57: {  	_ =	shalt  }
0x58: {  	_ =	shalt  }
0x59: {  	_ =	shalt  }
0x5a: {  	_ =	shalt  }
0x5b: {  	_ =	shalt  }
0x5c: {  	_ =	shalt  }
0x5d: {  	_ =	shalt  }
0x5e: {  	_ =	shalt  }
0x5f: {  	_ =	shalt  }
0x60: {  	_ =	shalt  }
0x61: {  	_ =	shalt  }
0x62: {  	_ =	shalt  }
0x63: {  	_ =	shalt  }
0x64: {  	_ =	shalt  }
0x65: {  	_ =	shalt  }
0x66: {  	_ =	shalt  }
0x67: {  	_ =	shalt  }
0x68: {  	_ =	shalt  }
0x69: {  	_ =	shalt  }
0x6a: {  	_ =	shalt  }
0x6b: {  	_ =	shalt  }
0x6c: {  	_ =	shalt  }
0x6d: {  	_ =	shalt  }
0x6e: {  	_ =	shalt  }
0x6f: {  	_ =	shalt  }
0x70: {  	_ =	shalt  }
0x71: {  	_ =	shalt  }
0x72: {  	_ =	shalt  }
0x73: {  	_ =	shalt  }
0x74: {  	_ =	shalt  }
0x75: {  	_ =	shalt  }
0x76: {  	_ =	shalt  }
0x77: {  	_ =	shalt  }
0x78: {  	_ =	shalt  }
0x79: {  	_ =	shalt  }
0x7a: {  	_ =	shalt  }
0x7b: {  	_ =	shalt  }
0x7c: {  	_ =	shalt  }
0x7d: {  	_ =	shalt  }
0x7e: {  	_ =	shalt  }
0x7f: {  	_ =	shalt  }
0x80: {  	_ =	shalt  }
0x81: {  	_ =	shalt  }
0x82: {  	_ =	shalt  }
0x83: {  	_ =	shalt  }
0x84: {  	_ =	shalt  }
0x85: {  	_ =	shalt  }
0x86: {  	_ =	shalt  }
0x87: {  	_ =	shalt  }
.Lfunc_end0:
.L_simem_size_0:
called_computation_lowered:
.L_overlay_start_0:
0x88: {  	s2 =	sld [smem:$0x3FD9]  }
0x89: {  	s3 =	sld [smem:$0x3FFE];
	_ =	sdelay $0x1  }
0x8a: {  	s1 =	srdreg.scid  }
0x8b: {  	s0 =	sand.u32 $0x1, s1  }
0x8c: {  	s15 =	sshll.u32 s0, $0xA;
	s2 =	sadd.s32 s3, s2  }
0x8d: {  	s2 =	sadd.s32 s2, s15  }
0x8e: {  	[smem:$0x3FC6] =	sst s2  }
0x8f: {  	_ = 	snop  }
0x90: {  	s2 =	sld [smem:$0x3FD0];
	_ =	sdelay $0x2  }
0x91: {  	s16 =	simm.s32 $0xA;
	s4 =	simm.s32 $0x10  }
0x92: {  	[smem:s4], [sflag:s16] =	dma.local [hbm:s2], $0x1  }
0x93: {  	_ =	swait.eq [sflag:s16], $0x1  }
0x94: {  	s17 =	sld [smem:$0x10];
	[sflag:s16] =	ssyncset.done $0x0  }
0x95: {  	s18 =	sld [smem:$0x11];
	[sflag:s16] =	ssyncadd.s32 $0xFFFFFFFF  }
0x96: {  	s19 =	sld [smem:$0x12];
	(tm) =	ssettm $0x1  }
0x97: {  	s5 =	sld [smem:$0x3FFB];
	_ =	sdelay $0x3  }
0x98: {  	_ =	strace s5  }
0x99: {  	s5 =	sld [smem:$0x3FFC];
	_ =	sdelay $0x3  }
0x9a: {  	_ =	strace s5  }
0x9b: {  	s5 =	sld [smem:$0x3FFD];
	_ =	sdelay $0x3  }
0x9c: {  	_ =	strace s5  }
0x9d: {  	_ =	strace $0x8FFFFFFF  }
0x9e: {  	s20 =	sld [smem:$0x3FDB];
	_ =	sdelay $0x1  }
0x9f: {  	s6 =	simm.s32 $_scs_section_size  }
0xa0: {  	s7 =	simm.s32 $_size__tile_overlayer_lowered;
	s8 =	simm.s32 $_tile_overlayer_lowered  }
0xa1: {  	s23 =	simm.s32 $0x1BFF;
	s22 =	sshll.u32 s8, $0x1;
	s5 =	sadd.s32 s6, s20  }
0xa2: {  	s9 =	simm.s32 $0x0;
	s21 =	sshll.u32 s7, $0x1;
	s7 =	sadd.s32 s22, s5  }
0xa3: {  	[timem:s9], [sflag:s23] =	dma.local [hbm:s7], s21  }
0xa4: {  	_ =	swait.ge [sflag:s23], s21  }
0xa5: {  	s6 =	ssub.s32 $0x0, s21;
	[sflag:s23] =	ssyncset.done $0x0  }
0xa6: {  	[sflag:s23] =	ssyncadd.s32 s6;
	_ =	sdelay $0x1  }
0xa7: {  	s24 =	simm.s32 $0x1B8B  }
0xa8: {  	_ =	swait.ge [sflag:s24], $0x1  }
0xa9: {  	[sflag:s24] =	ssyncset.done $0x0  }
0xaa: {  	s25 =	simm.s32 $0x1B8E;
	[sflag:s24] =	ssyncadd.s32 $0xFFFFFFFF  }
0xab: {  	s26 =	simm.s32 $execute0_lowered;
	[smem:$0x3FD2] =	sst s25  }
0xac: {  	s6 =	sshll.u32 s26, $0x1;
	_ =	strace $0x80000046;
	[dreg:$0x1] =	wrdreg $0xFFFFFFFF  }
0xad: {  	s28 =	simm.s32 $_size_execute0_lowered;
	s5 =	sadd.s32 s5, s6;
	[dreg:$0x0] =	wrdreg $0x0  }
0xae: {  	s6 =	sshll.u32 s28, $0x1;
	[dreg:$0x2] =	wrdreg s5  }
0xaf: {  	[dreg:$0x3] =	wrdreg s6  }
0xb0: {  	[dreg:$0x4] =	wrdreg $0xC0  }
0xb1: {  	_ =	task [dreg:s9], $0x5FFFF  }
0xb2: {  	[dreg:$0x1] =	wrdreg $0xFFFFFFFF  }
0xb3: {  	[dreg:$0x0] =	wrdreg $0x60  }
0xb4: {  	[dreg:$0x2] =	wrdreg s17  }
0xb5: {  	[dreg:$0x3] =	wrdreg s18  }
0xb6: {  	[dreg:$0x4] =	wrdreg s19  }
0xb7: {  	[dreg:$0x5] =	wrdreg $0x9  }
0xb8: {  	_ =	task.clear_ibuf [dreg:s9], $0x6FFFF;
	_ =	strace $0x90000046  }
0xb9: {  	s29 =	simm.s32 $0x9;
	_ =	strace $0x80000048  }
0xba: {  	_ =	swait.ge [sflag:s29], $0x1  }
0xbb: {  	[sflag:s29] =	ssyncadd.s32 $0xFFFFFFFF  }
0xbc: {  	_ =	strace $0x90000048  }
0xbd: {  	_ =	sfence  }
0xbe: {  	s30 =	sld [smem:$0x0];
	_ =	sdelay $0x2  }
0xbf: {  	s31 =	sshll.u32 s1, $0xD;
	s1 =	sshrl.u32 s1, $0x2  }
0xc0: {  	s3 =	sand.u32 $0x4000, s31;
	s1 =	sadd.s32 s1, s30  }
0xc1: {  	s0 =	sor.u32 s3, s0;
	s1 =	sshll.u32 s1, $0x11  }
0xc2: {  	s0 =	sor.u32 s1, s0  }
0xc3: {  	s0 =	sadd.s32 $0x8F2B, s0  }
0xc4: {  	[sflag:s0] =	ssyncadd.remote.s32 $0x1  }
0xc5: {  	_ =	sfence.sel $0xFFFF  }
0xc6: {  	[dreg:$0x0] =	wrdreg $0xFFFFFFFF;
	(pc) =	sbr.abs _section_cstart, $3  }
0xc7: {  	[dreg:$0x1] =	wrdreg $0xFFFFFFFF  }
0xc8: {  	_ =	task.clear_ibuf [dreg:s9], $0x2FFFF;
	_ =	strace $0x9FFFFFFF  }
0xc9: {  	(tm) =	ssettm $0x7FFFFFFF  }
tec
execute0_lowered:
.L_overlay_start_1:
0x0: {  	(tag) =	ssettag $0x1  }
0x1: {  	s3 =	rddreg [dreg:$0x0]  }
0x2: {  	s5 =	rddreg [dreg:$0x1]  }
0x3: {  	s7 =	rddreg [dreg:$0x2];
	s2 =	srdreg.scid  }
0x4: {  	s0 =	rddreg [dreg:$0x3];
	s1 =	stileid.u32;
	s11 =	simm.s32 $0x1  }
0x5: {  	s12 =	simm.s32 $0x80;
	s13 =	simm.s32 $0x100;
	s14 =	simm.s32 $0x2000  }
0x6: {  	s15 =	simm.s32 $0x2200;
	s16 =	simm.s32 $0x2400;
	s17 =	simm.s32 $0x2600  }
0x7: {  	s18 =	simm.s32 $0x0;
	s4 =	sand.u32 $0x1, s2;
	s2 =	simm.s32 $0x0  }
0x8: {  	s6 =	sshll.u32 s1, $0xA;
	s8 =	sshll.u32 s4, $0x9;
	s4 =	ssub.s32 $0x2, s4  }
0x9: {  	[smem:$0x7FF] =	sst s2;
	s6 =	sor.u32 s8, s6;
	s31 =	sshrl.u32 s4, $0x1  }
0xa: {  	_ =	strace $0x80000047;
	s9 =	sshrl.u32 s6, $0x2;
	s8 =	ssub.s32 s4, s31  }
0xb: {  	s3 =	sadd.s32 s3, s6;
	s10 =	sor.u32 $0x10, s9;
	s4 =	sadd.s32 s5, s9  }
0xc: {  	s6 =	sadd.s32 s7, s9;
	s8 =	smax.u32 s8, $0x1;
	s9 =	simm.s32 $0x1000  }
0xd: {  	v0 =	vimm.s32 $0x0;
	s5 =	sadd.s32 s5, s10;
	s7 =	sadd.s32 s7, s10;
	s10 =	simm.s32 $0x20000  }
.LBB2_1:
0xe: {  	[tilespmem:s2], [sflag:$0x1] =	stream.strided.gather [hbm4b:s3+s9], $0x2000, s10, s9, $0x38;
	[tilespmem:$0x2800] =	vst v63  }
0xf: {  	_ =	swait.ge [sflag:s11], $0x2000  }
0x10: {  	s19 =	sand.u32 $0x70, s2;
	s20 =	sand.u32 $0xC00, s2;
	[sflag:s11] =	ssyncset.done $0x0  }
0x11: {  	s19 =	sor.u32 s19, s20;
	[sflag:s11] =	ssyncadd.s32 $0xFFFFE000  }
0x12: {  	v1 =	vld [tilespmem:s19+$0x0]  }
0x13: {  	v2 =	vld [tilespmem:s19+$0x80];
	_ =	sdelay $0x3  }
0x14: {  	v3 =	vld [tilespmem:s19+$0x100];
	vm0 =	vgt.f32 v1, $-Inf  }
0x15: {  	vm11 =	vlt.f32 v2, $-Inf;
	vm1 =	vgt.f32 v2, $-Inf;
	v1 =	vnsel vm0, $0xFF800000, v1  }
0x16: {  	vm14 =	vmor vm1, vm11;
	vm12 =	vgt.f32 v2, v1  }
0x17: {  	v5 =	vld [tilespmem:s19+$0x180];
	v4 =	vnsel vm14, $0xFF800000, v2;
	vm0 =	vmneg vm12  }
0x18: {  	v4 =	vsel vm0, v4, v1  }
0x19: {  	v1 =	vsel vm0, v1, v2;
	vm15 =	vgt.f32 v3, v4  }
0x1a: {  	vm9 =	vgt.f32 v3, v1;
	v2 =	vsel vm15, v3, v4  }
0x1b: {  	v44 =	vld [tilespmem:s19+$0x200];
	v2 =	vsel vm9, v1, v2  }
0x1c: {  	v1 =	vsel vm9, v3, v1;
	v3 =	vimm.s32 $0x0;
	vm4 =	vgt.f32 v5, v2  }
0x1d: {  	v3 =	vsel vm4, $0xFFFFFFFF, v3  }
0x1e: {  	vm11 =	vgt.f32 v5, v1;
	v2 =	vsel vm4, v5, v2;
	[tilespmem:$0x1FF50] =	vst v3;
	v3 =	vld [tilespmem:s19+$0x280]  }
0x1f: {  	v2 =	vsel vm11, v1, v2  }
0x20: {  	v1 =	vsel vm11, v5, v1;
	vm5 =	vgt.f32 v44, v2  }
0x21: {  	v46 =	vld [tilespmem:s19+$0x300];
	vm8 =	vgt.f32 v44, v1;
	v2 =	vsel vm5, v44, v2  }
0x22: {  	v2 =	vsel vm8, v1, v2  }
0x23: {  	v1 =	vsel vm8, v44, v1;
	vm13 =	vgt.f32 v3, v2  }
0x24: {  	v45 =	vimm.s32 $0x0;
	vm7 =	vgt.f32 v3, v1;
	v2 =	vsel vm13, v3, v2  }
0x25: {  	v48 =	vld [tilespmem:s19+$0x380];
	v5 =	vsel vm5, $0xFFFFFFFF, v45;
	v2 =	vsel vm7, v1, v2  }
0x26: {  	v1 =	vsel vm7, v3, v1;
	v3 =	vimm.s32 $0x0;
	vm5 =	vgt.f32 v46, v2  }
0x27: {  	v3 =	vsel vm5, $0xFFFFFFFF, v3  }
0x28: {  	vm10 =	vgt.f32 v46, v1;
	v2 =	vsel vm5, v46, v2;
	[tilespmem:$0x1FF80] =	vst v3;
	v3 =	vld [tilespmem:s19+$0x1000]  }
0x29: {  	v2 =	vsel vm10, v1, v2  }
0x2a: {  	v47 =	vimm.s32 $0x0;
	v1 =	vsel vm10, v46, v1;
	vm6 =	vgt.f32 v48, v2  }
0x2b: {  	v50 =	vld [tilespmem:s19+$0x1080];
	v4 =	vsel vm13, $0xFFFFFFFF, v47;
	vm13 =	vgt.f32 v48, v1;
	v2 =	vsel vm6, v48, v2  }
0x2c: {  	v2 =	vsel vm13, v1, v2  }
0x2d: {  	v49 =	vimm.s32 $0x0;
	v1 =	vsel vm13, v48, v1;
	vm4 =	vgt.f32 v3, v2  }
0x2e: {  	[tilespmem:$0x1FF60] =	vst v5;
	v5 =	vsel vm6, $0xFFFFFFFF, v49;
	vm6 =	vgt.f32 v3, v1;
	v2 =	vsel vm4, v3, v2  }
0x2f: {  	v52 =	vld [tilespmem:s19+$0x1100];
	v2 =	vsel vm6, v1, v2  }
0x30: {  	v1 =	vsel vm6, v3, v1;
	v3 =	vimm.s32 $0x0;
	vm5 =	vgt.f32 v50, v2  }
0x31: {  	v3 =	vsel vm5, $0xFFFFFFFF, v3  }
0x32: {  	v2 =	vsel vm5, v50, v2;
	vm5 =	vgt.f32 v50, v1;
	[tilespmem:$0x1FFB0] =	vst v3;
	v3 =	vld [tilespmem:s19+$0x1180]  }
0x33: {  	v51 =	vimm.s32 $0x0;
	v53 =	vimm.s32 $0x0;
	v2 =	vsel vm5, v1, v2  }
0x34: {  	[tilespmem:$0x1FF70] =	vst v4;
	v4 =	vsel vm4, $0xFFFFFFFF, v51;
	v1 =	vsel vm5, v50, v1;
	vm4 =	vgt.f32 v52, v2  }
0x35: {  	v54 =	vld [tilespmem:s19+$0x1200];
	[tilespmem:$0x1FF90] =	vst v5;
	v5 =	vsel vm4, $0xFFFFFFFF, v53;
	v2 =	vsel vm4, v52, v2;
	vm4 =	vgt.f32 v52, v1  }
0x36: {  	v2 =	vsel vm4, v1, v2  }
0x37: {  	v1 =	vsel vm4, v52, v1;
	vm1 =	vgt.f32 v3, v2  }
0x38: {  	v55 =	vimm.s32 $0x0;
	vm3 =	vgt.f32 v3, v1;
	v2 =	vsel vm1, v3, v2  }
0x39: {  	v56 =	vld [tilespmem:s19+$0x1280];
	[tilespmem:$0x1FFA0] =	vst v4;
	v4 =	vsel vm1, $0xFFFFFFFF, v55;
	v2 =	vsel vm3, v1, v2  }
0x3a: {  	v1 =	vsel vm3, v3, v1;
	v3 =	vimm.s32 $0x0;
	vm1 =	vgt.f32 v54, v2  }
0x3b: {  	v3 =	vsel vm1, $0xFFFFFFFF, v3  }
0x3c: {  	vm2 =	vgt.f32 v54, v1;
	v2 =	vsel vm1, v54, v2;
	[tilespmem:$0x1FFE0] =	vst v3;
	v3 =	vld [tilespmem:s19+$0x1300]  }
0x3d: {  	v2 =	vsel vm2, v1, v2  }
0x3e: {  	v57 =	vimm.s32 $0x0;
	v60 =	vld [tilespmem:$0x1FF50];
	v1 =	vsel vm2, v54, v1;
	vm1 =	vgt.f32 v56, v2  }
0x3f: {  	v58 =	vld [tilespmem:s19+$0x1380];
	[tilespmem:$0x1FFC0] =	vst v5;
	v5 =	vsel vm1, $0xFFFFFFFF, v57;
	v2 =	vsel vm1, v56, v2;
	vm1 =	vgt.f32 v56, v1  }
0x40: {  	v6 =	vsel vm12, $0x1, v0;
	v2 =	vsel vm1, v1, v2  }
0x41: {  	vm0 =	vmand vm14, vm0;
	v1 =	vsel vm1, v56, v1;
	vm14 =	vgt.f32 v3, v2  }
0x42: {  	v59 =	vsel vm0, $0x1, v0;
	v61 =	vld [tilespmem:$0x1FF60];
	vm0 =	vgt.f32 v3, v1;
	v2 =	vsel vm14, v3, v2  }
0x43: {  	[tilespmem:$0x1FFD0] =	vst v4;
	v4 =	vsel vm15, $0x2, v59;
	vm15 =	vnez.u8 v60;
	v2 =	vsel vm0, v1, v2  }
0x44: {  	v62 =	vld [tilespmem:$0x1FF70];
	v4 =	vsel vm9, v6, v4;
	v1 =	vsel vm0, v3, v1;
	vm12 =	vgt.f32 v58, v2  }
0x45: {  	v3 =	vsel vm9, $0x2, v6;
	vm9 =	vgt.f32 v58, v1;
	v2 =	vsel vm12, v58, v2  }
0x46: {  	v4 =	vsel vm15, $0x3, v4;
	v2 =	vsel vm9, v1, v2;
	v1 =	vsel vm9, v58, v1  }
0x47: {  	vm15 =	vnez.u8 v61;
	v1 =	vsub.f32 v2, v1;
	v2 =	vsel vm11, v3, v4  }
0x48: {  	v3 =	vsel vm11, $0x3, v3;
	v2 =	vsel vm15, $0x4, v2  }
0x49: {  	vm15 =	vnez.u8 v62;
	v2 =	vsel vm8, v3, v2;
	v1 =	vmul.f32 $1.442695020e+00, v1  }
0x4a: {  	v3 =	vsel vm8, $0x4, v3;
	v2 =	vsel vm15, $0x5, v2  }
0x4b: {  	(erf) = vpow2.f32 v1;
	v1 =	vsel vm7, v3, v2;
	v2 =	vsel vm7, $0x5, v3;
	v3 =	vld [tilespmem:$0x1FF80];
	_ =	sdelay $0x4  }
0x4c: {  	vm15 =	vnez.u8 v3;
	v3 =	vld [tilespmem:$0x1FF90];
	_ =	sdelay $0x4  }
0x4d: {  	vm11 =	vnez.u8 v3;
	v3 =	vld [tilespmem:$0x1FFA0];
	_ =	sdelay $0x1  }
0x4e: {  	v1 =	vsel vm15, $0x6, v1  }
0x4f: {  	v1 =	vsel vm10, v2, v1  }
0x50: {  	v2 =	vsel vm10, $0x6, v2;
	v1 =	vsel vm11, $0x7, v1  }
0x51: {  	v1 =	vsel vm13, v2, v1;
	v2 =	vsel vm13, $0x7, v2;
	vm13 =	vnez.u8 v3;
	v3 =	vld [tilespmem:$0x1FFB0];
	_ =	sdelay $0x4  }
0x52: {  	vm15 =	vnez.u8 v3;
	v3 =	vld [tilespmem:$0x1FFC0];
	_ =	sdelay $0x4  }
0x53: {  	vm10 =	vnez.u8 v3;
	v3 =	vpop (erf)  }
0x54: {  	v3 =	vadd.f32 $1.000000000e+00, v3;
	_ =	sdelay $0x1  }
0x55: {  	(erf) = vrcp.f32 v3;
	v3 =	vld [tilespmem:$0x1FFE0]  }
0x56: {  	v63 =	vld [tilespmem:$0x1FFD0];
	v1 =	vsel vm13, $0x8, v1  }
0x57: {  	v1 =	vsel vm6, v2, v1  }
0x58: {  	v2 =	vsel vm6, $0x8, v2;
	v1 =	vsel vm15, $0x9, v1  }
0x59: {  	[tilespmem:$0x1FFF0] =	vst v5;
	v1 =	vsel vm5, v2, v1  }
0x5a: {  	v2 =	vsel vm5, $0x9, v2;
	v1 =	vsel vm10, $0xA, v1;
	vm13 =	vnez.u8 v3;
	v3 =	vld [tilespmem:$0x1FFF0]  }
0x5b: {  	vm11 =	vnez.u8 v63;
	v1 =	vsel vm4, v2, v1  }
0x5c: {  	v2 =	vsel vm4, $0xA, v2;
	v1 =	vsel vm11, $0xB, v1  }
0x5d: {  	v1 =	vsel vm3, v2, v1  }
0x5e: {  	v2 =	vsel vm3, $0xB, v2;
	v1 =	vsel vm13, $0xC, v1  }
0x5f: {  	v1 =	vsel vm2, v2, v1;
	vm15 =	vnez.u8 v3  }
0x60: {  	v2 =	vsel vm2, $0xC, v2;
	v1 =	vsel vm15, $0xD, v1  }
0x61: {  	v1 =	vsel vm1, v2, v1  }
0x62: {  	v2 =	vsel vm1, $0xD, v2;
	v1 =	vsel vm14, $0xE, v1  }
0x63: {  	v1 =	vsel vm0, v2, v1;
	v2 =	vsel vm0, $0xE, v2  }
0x64: {  	s21 =	simm.s32 $0x10;
	v1 =	vsel vm12, $0xF, v1;
	v3 =	vsel vm9, $0xF, v2  }
0x65: {  	s30 =	simm.s32 $0x20;
	s23 =	simm.s32 $0x80;
	s22 =	simm.s32 $0x2000;
	v1 =	vsel vm9, v2, v1;
	[tilespmem:s14+$0x0] =	vst v3  }
0x66: {  	s24 =	simm.s32 $0x2600;
	s20 =	simm.s32 $0x2610;
	s28 =	sand.u32 $0x70, s21;
	[tilespmem:s15+$0x0] =	vst v1;
	v2 =	vpop (erf)  }
0x67: {  	s29 =	sand.u32 $0xC00, s23;
	s21 =	simm.s32 $0x2210;
	s19 =	simm.s32 $0x2410;
	v1 =	vsub.f32 $1.000000000e+00, v2;
	[tilespmem:s16+$0x0] =	vst v2  }
.LBB2_2:
0x68: {  	s29 =	sor.u32 s28, s29;
	s22 =	sadd.s32 $0x10, s22  }
0x69: {  	s28 =	smov.u32 s30;
	s25 =	sadd.s32 $0x10, s30;
	s26 =	smov.u32 s19  }
0x6a: {  	p0 =	sne.s32 s30, $0x1F0;
	[tilespmem:s24+$0x0] =	vst v1;
	s24 =	smov.u32 s20  }
0x6b: {  	v1 =	vld [tilespmem:s29+$0x0]  }
0x6c: {  	v2 =	vld [tilespmem:s29+$0x80];
	_ =	sdelay $0x3  }
0x6d: {  	vm0 =	vgt.f32 v1, $-Inf;
	v3 =	vld [tilespmem:s29+$0x100]  }
0x6e: {  	v1 =	vnsel vm0, $0xFF800000, v1;
	vm0 =	vlt.f32 v2, $-Inf;
	vm1 =	vgt.f32 v2, $-Inf  }
0x6f: {  	vm2 =	vgt.f32 v2, v1;
	vm0 =	vmor vm1, vm0  }
0x70: {  	vm1 =	vmneg vm2;
	v4 =	vnsel vm0, $0xFF800000, v2;
	v5 =	vld [tilespmem:s29+$0x180]  }
0x71: {  	v4 =	vsel vm1, v4, v1;
	vm0 =	vmand vm0, vm1;
	v1 =	vsel vm1, v1, v2  }
0x72: {  	v2 =	vsel vm0, $0x1, v0;
	vm0 =	vgt.f32 v3, v4  }
0x73: {  	vm1 =	vgt.f32 v3, v1;
	v4 =	vsel vm0, v3, v4;
	v2 =	vsel vm0, $0x2, v2;
	v6 =	vld [tilespmem:s29+$0x200]  }
0x74: {  	v7 =	vsel vm2, $0x1, v0;
	v4 =	vsel vm1, v1, v4;
	v1 =	vsel vm1, v3, v1  }
0x75: {  	v2 =	vsel vm1, v7, v2;
	v3 =	vsel vm1, $0x2, v7;
	vm0 =	vgt.f32 v5, v4  }
0x76: {  	vm1 =	vgt.f32 v5, v1;
	v4 =	vsel vm0, v5, v4;
	v2 =	vsel vm0, $0x3, v2;
	v7 =	vld [tilespmem:s29+$0x280]  }
0x77: {  	v4 =	vsel vm1, v1, v4;
	v2 =	vsel vm1, v3, v2;
	v1 =	vsel vm1, v5, v1  }
0x78: {  	v3 =	vsel vm1, $0x3, v3;
	vm0 =	vgt.f32 v6, v4  }
0x79: {  	vm1 =	vgt.f32 v6, v1;
	v4 =	vsel vm0, v6, v4;
	v2 =	vsel vm0, $0x4, v2;
	v5 =	vld [tilespmem:s29+$0x300]  }
0x7a: {  	v4 =	vsel vm1, v1, v4;
	v1 =	vsel vm1, v6, v1;
	v6 =	vsel vm1, $0x4, v3  }
0x7b: {  	v2 =	vsel vm1, v3, v2;
	vm0 =	vgt.f32 v7, v4  }
0x7c: {  	vm1 =	vgt.f32 v7, v1;
	v3 =	vsel vm0, v7, v4;
	v2 =	vsel vm0, $0x5, v2;
	v4 =	vld [tilespmem:s29+$0x380]  }
0x7d: {  	v3 =	vsel vm1, v1, v3;
	v2 =	vsel vm1, v6, v2;
	v1 =	vsel vm1, v7, v1  }
0x7e: {  	v6 =	vsel vm1, $0x5, v6;
	vm0 =	vgt.f32 v5, v3  }
0x7f: {  	vm1 =	vgt.f32 v5, v1;
	v3 =	vsel vm0, v5, v3;
	v2 =	vsel vm0, $0x6, v2;
	v7 =	vld [tilespmem:s29+$0x1000]  }
0x80: {  	v3 =	vsel vm1, v1, v3;
	v2 =	vsel vm1, v6, v2  }
0x81: {  	v1 =	vsel vm1, v5, v1;
	v5 =	vsel vm1, $0x6, v6;
	vm0 =	vgt.f32 v4, v3  }
0x82: {  	vm1 =	vgt.f32 v4, v1;
	v3 =	vsel vm0, v4, v3;
	v2 =	vsel vm0, $0x7, v2;
	v6 =	vld [tilespmem:s29+$0x1080]  }
0x83: {  	v3 =	vsel vm1, v1, v3;
	v2 =	vsel vm1, v5, v2  }
0x84: {  	v1 =	vsel vm1, v4, v1;
	v4 =	vsel vm1, $0x7, v5;
	vm0 =	vgt.f32 v7, v3  }
0x85: {  	vm1 =	vgt.f32 v7, v1;
	v3 =	vsel vm0, v7, v3;
	v2 =	vsel vm0, $0x8, v2;
	v5 =	vld [tilespmem:s29+$0x1100]  }
0x86: {  	v3 =	vsel vm1, v1, v3;
	v1 =	vsel vm1, v7, v1;
	v7 =	vsel vm1, $0x8, v4  }
0x87: {  	v2 =	vsel vm1, v4, v2;
	vm0 =	vgt.f32 v6, v3  }
0x88: {  	vm1 =	vgt.f32 v6, v1;
	v3 =	vsel vm0, v6, v3;
	v2 =	vsel vm0, $0x9, v2;
	v4 =	vld [tilespmem:s29+$0x1180]  }
0x89: {  	v3 =	vsel vm1, v1, v3;
	v2 =	vsel vm1, v7, v2;
	v1 =	vsel vm1, v6, v1  }
0x8a: {  	vm0 =	vgt.f32 v5, v3  }
0x8b: {  	v6 =	vsel vm1, $0x9, v7;
	vm1 =	vgt.f32 v5, v1;
	v3 =	vsel vm0, v5, v3;
	v7 =	vld [tilespmem:s29+$0x1200]  }
0x8c: {  	v2 =	vsel vm0, $0xA, v2;
	v3 =	vsel vm1, v1, v3;
	v1 =	vsel vm1, v5, v1  }
0x8d: {  	v2 =	vsel vm1, v6, v2;
	v5 =	vsel vm1, $0xA, v6;
	vm0 =	vgt.f32 v4, v3  }
0x8e: {  	vm1 =	vgt.f32 v4, v1;
	v3 =	vsel vm0, v4, v3;
	v2 =	vsel vm0, $0xB, v2;
	v6 =	vld [tilespmem:s29+$0x1280]  }
0x8f: {  	v3 =	vsel vm1, v1, v3;
	v2 =	vsel vm1, v5, v2  }
0x90: {  	v1 =	vsel vm1, v4, v1;
	v4 =	vsel vm1, $0xB, v5;
	vm0 =	vgt.f32 v7, v3  }
0x91: {  	vm1 =	vgt.f32 v7, v1;
	v3 =	vsel vm0, v7, v3;
	v2 =	vsel vm0, $0xC, v2;
	v5 =	vld [tilespmem:s29+$0x1300]  }
0x92: {  	v3 =	vsel vm1, v1, v3;
	v2 =	vsel vm1, v4, v2;
	v1 =	vsel vm1, v7, v1  }
0x93: {  	v4 =	vsel vm1, $0xC, v4;
	vm0 =	vgt.f32 v6, v3  }
0x94: {  	vm1 =	vgt.f32 v6, v1;
	v3 =	vsel vm0, v6, v3;
	v2 =	vsel vm0, $0xD, v2;
	v7 =	vld [tilespmem:s29+$0x1380]  }
0x95: {  	v3 =	vsel vm1, v1, v3;
	v2 =	vsel vm1, v4, v2;
	v1 =	vsel vm1, v6, v1  }
0x96: {  	v4 =	vsel vm1, $0xD, v4;
	vm0 =	vgt.f32 v5, v3  }
0x97: {  	vm1 =	vgt.f32 v5, v1;
	v3 =	vsel vm0, v5, v3;
	v2 =	vsel vm0, $0xE, v2  }
0x98: {  	v3 =	vsel vm1, v1, v3;
	v2 =	vsel vm1, v4, v2;
	v1 =	vsel vm1, v5, v1  }
0x99: {  	v4 =	vsel vm1, $0xE, v4;
	vm0 =	vgt.f32 v7, v3  }
0x9a: {  	vm1 =	vgt.f32 v7, v1;
	v3 =	vsel vm0, v7, v3;
	v2 =	vsel vm0, $0xF, v2  }
0x9b: {  	v5 =	vsel vm1, $0xF, v4;
	v3 =	vsel vm1, v1, v3;
	v1 =	vsel vm1, v7, v1  }
0x9c: {  	v2 =	vsel vm1, v4, v2;
	v1 =	vsub.f32 v3, v1;
	[tilespmem:s22+$0x0] =	vst v5  }
0x9d: {  	[tilespmem:s21+$0x0] =	vst v2  }
0x9e: {  	v1 =	vmul.f32 $1.442695020e+00, v1;
	_ =	sdelay $0x1  }
0x9f: {  	(erf) = vpow2.f32 v1;
	_ =	sdelay $0x8  }
0xa0: {  	v1 =	vpop (erf)  }
0xa1: {  	v1 =	vadd.f32 $1.000000000e+00, v1;
	_ =	sdelay $0x1  }
0xa2: {  	(erf) = vrcp.f32 v1;
	_ =	sdelay $0x5  }
.Ltmp0:
0xa3: {  	(pc) =	sbr.rel @p0 .LBB2_2-.Ltmp0, $4  }
0xa4: {  	_ = 	snop  }
0xa5: {  	s23 =	sadd.s32 $0x80, s23  }
0xa6: {  	s19 =	sadd.s32 $0x10, s19;
	s20 =	sadd.s32 $0x10, s20;
	s28 =	sand.u32 $0x70, s28;
	v2 =	vpop (erf)  }
0xa7: {  	s30 =	smov.u32 s25;
	s29 =	sand.u32 $0xC00, s23;
	s21 =	sadd.s32 $0x10, s21;
	v1 =	vsub.f32 $1.000000000e+00, v2;
	[tilespmem:s26+$0x0] =	vst v2  }
0xa8: {  	_ = 	snop  }
0xa9: {  	s23 =	sor.u32 s28, s29;
	[tilespmem:s24+$0x0] =	vst v1  }
0xaa: {  	v1 =	vld [tilespmem:s23+$0x0]  }
0xab: {  	v2 =	vld [tilespmem:s23+$0x80];
	_ =	sdelay $0x3  }
0xac: {  	v3 =	vld [tilespmem:s23+$0x100];
	vm0 =	vgt.f32 v1, $-Inf  }
0xad: {  	vm5 =	vlt.f32 v2, $-Inf;
	vm1 =	vgt.f32 v2, $-Inf;
	v1 =	vnsel vm0, $0xFF800000, v1  }
0xae: {  	v4 =	vimm.s32 $0x0;
	vm14 =	vmor vm1, vm5;
	vm2 =	vgt.f32 v2, v1  }
0xaf: {  	v42 =	vnsel vm14, $0xFF800000, v2;
	v4 =	vsel vm2, $0xFFFFFFFF, v4;
	vm10 =	vmneg vm2  }
0xb0: {  	v5 =	vld [tilespmem:s23+$0x180];
	[tilespmem:$0x1FE90] =	vst v4;
	v4 =	vsel vm10, v42, v1  }
0xb1: {  	v1 =	vsel vm10, v1, v2;
	v2 =	vimm.s32 $0x0;
	vm6 =	vgt.f32 v3, v4  }
0xb2: {  	v2 =	vsel vm6, $0xFFFFFFFF, v2  }
0xb3: {  	vm12 =	vgt.f32 v3, v1;
	[tilespmem:$0x1FE80] =	vst v2;
	v2 =	vsel vm6, v3, v4  }
0xb4: {  	v43 =	vld [tilespmem:s23+$0x200];
	v2 =	vsel vm12, v1, v2  }
0xb5: {  	v1 =	vsel vm12, v3, v1;
	v3 =	vimm.s32 $0x0;
	vm7 =	vgt.f32 v5, v2  }
0xb6: {  	v3 =	vsel vm7, $0xFFFFFFFF, v3  }
0xb7: {  	vm9 =	vgt.f32 v5, v1;
	v2 =	vsel vm7, v5, v2;
	[tilespmem:$0x1FEA0] =	vst v3;
	v3 =	vld [tilespmem:s23+$0x280]  }
0xb8: {  	v2 =	vsel vm9, v1, v2  }
0xb9: {  	v1 =	vsel vm9, v5, v1;
	vm13 =	vgt.f32 v43, v2  }
0xba: {  	v45 =	vld [tilespmem:s23+$0x300];
	vm8 =	vgt.f32 v43, v1;
	v2 =	vsel vm13, v43, v2  }
0xbb: {  	v2 =	vsel vm8, v1, v2  }
0xbc: {  	v1 =	vsel vm8, v43, v1;
	vm15 =	vgt.f32 v3, v2  }
0xbd: {  	vm7 =	vgt.f32 v3, v1;
	v2 =	vsel vm15, v3, v2  }
0xbe: {  	v47 =	vld [tilespmem:s23+$0x380];
	v2 =	vsel vm7, v1, v2  }
0xbf: {  	v1 =	vsel vm7, v3, v1;
	v3 =	vimm.s32 $0x0;
	vm4 =	vgt.f32 v45, v2  }
0xc0: {  	v3 =	vsel vm4, $0xFFFFFFFF, v3  }
0xc1: {  	vm11 =	vgt.f32 v45, v1;
	v2 =	vsel vm4, v45, v2;
	[tilespmem:$0x1FED0] =	vst v3;
	v3 =	vld [tilespmem:s23+$0x1000]  }
0xc2: {  	v2 =	vsel vm11, v1, v2  }
0xc3: {  	v44 =	vimm.s32 $0x0;
	v1 =	vsel vm11, v45, v1;
	vm5 =	vgt.f32 v47, v2  }
0xc4: {  	v49 =	vld [tilespmem:s23+$0x1080];
	v5 =	vsel vm13, $0xFFFFFFFF, v44;
	vm13 =	vgt.f32 v47, v1;
	v2 =	vsel vm5, v47, v2  }
0xc5: {  	v46 =	vimm.s32 $0x0;
	v50 =	vimm.s32 $0x0;
	v2 =	vsel vm13, v1, v2  }
0xc6: {  	v4 =	vsel vm15, $0xFFFFFFFF, v46;
	v1 =	vsel vm13, v47, v1;
	vm6 =	vgt.f32 v3, v2  }
0xc7: {  	[tilespmem:$0x1FEC0] =	vst v4;
	v4 =	vsel vm6, $0xFFFFFFFF, v50;
	v2 =	vsel vm6, v3, v2;
	vm6 =	vgt.f32 v3, v1  }
0xc8: {  	v51 =	vld [tilespmem:s23+$0x1100];
	v2 =	vsel vm6, v1, v2  }
0xc9: {  	v1 =	vsel vm6, v3, v1;
	v3 =	vimm.s32 $0x0;
	vm15 =	vgt.f32 v49, v2  }
0xca: {  	v48 =	vimm.s32 $0x0;
	[tilespmem:$0x1FEB0] =	vst v5;
	v3 =	vsel vm15, $0xFFFFFFFF, v3  }
0xcb: {  	v5 =	vsel vm5, $0xFFFFFFFF, v48;
	vm5 =	vgt.f32 v49, v1;
	v2 =	vsel vm15, v49, v2;
	[tilespmem:$0x1FF00] =	vst v3;
	v3 =	vld [tilespmem:s23+$0x1180]  }
0xcc: {  	v2 =	vsel vm5, v1, v2  }
0xcd: {  	v52 =	vimm.s32 $0x0;
	v1 =	vsel vm5, v49, v1;
	vm4 =	vgt.f32 v51, v2  }
0xce: {  	v53 =	vld [tilespmem:s23+$0x1200];
	[tilespmem:$0x1FEE0] =	vst v5;
	v5 =	vsel vm4, $0xFFFFFFFF, v52;
	v2 =	vsel vm4, v51, v2;
	vm4 =	vgt.f32 v51, v1  }
0xcf: {  	v2 =	vsel vm4, v1, v2  }
0xd0: {  	v1 =	vsel vm4, v51, v1;
	vm15 =	vgt.f32 v3, v2  }
0xd1: {  	v54 =	vimm.s32 $0x0;
	vm3 =	vgt.f32 v3, v1;
	v2 =	vsel vm15, v3, v2  }
0xd2: {  	v55 =	vld [tilespmem:s23+$0x1280];
	[tilespmem:$0x1FEF0] =	vst v4;
	v4 =	vsel vm15, $0xFFFFFFFF, v54;
	v2 =	vsel vm3, v1, v2  }
0xd3: {  	v1 =	vsel vm3, v3, v1;
	v3 =	vimm.s32 $0x0;
	vm15 =	vgt.f32 v53, v2  }
0xd4: {  	v3 =	vsel vm15, $0xFFFFFFFF, v3  }
0xd5: {  	vm2 =	vgt.f32 v53, v1;
	v2 =	vsel vm15, v53, v2;
	[tilespmem:$0x1FF30] =	vst v3;
	v3 =	vld [tilespmem:s23+$0x1300]  }
0xd6: {  	v2 =	vsel vm2, v1, v2  }
0xd7: {  	v1 =	vsel vm2, v53, v1;
	vm15 =	vgt.f32 v55, v2  }
0xd8: {  	vm1 =	vgt.f32 v55, v1;
	v2 =	vsel vm15, v55, v2  }
0xd9: {  	v56 =	vimm.s32 $0x0;
	v2 =	vsel vm1, v1, v2  }
0xda: {  	v57 =	vld [tilespmem:s23+$0x1380];
	[tilespmem:$0x1FF10] =	vst v5;
	v5 =	vsel vm15, $0xFFFFFFFF, v56;
	v1 =	vsel vm1, v55, v1;
	vm15 =	vgt.f32 v3, v2  }
0xdb: {  	vm14 =	vmand vm14, vm10;
	v6 =	vld [tilespmem:$0x1FE80];
	vm10 =	vgt.f32 v3, v1;
	v2 =	vsel vm15, v3, v2  }
0xdc: {  	v2 =	vsel vm10, v1, v2;
	v1 =	vsel vm10, v3, v1;
	v3 =	vld [tilespmem:$0x1FE90];
	_ =	sdelay $0x1  }
0xdd: {  	v59 =	vld [tilespmem:$0x1FEA0];
	_ =	sdelay $0x1  }
0xde: {  	v58 =	vsel vm14, $0x1, v0;
	vm14 =	vnez.u8 v6;
	v60 =	vld [tilespmem:$0x1FEB0]  }
0xdf: {  	[tilespmem:$0x1FF20] =	vst v4;
	v4 =	vsel vm14, $0x2, v58;
	vm14 =	vgt.f32 v57, v2;
	vm0 =	vnez.u8 v3  }
0xe0: {  	v61 =	vld [tilespmem:$0x1FEC0];
	v2 =	vsel vm14, v57, v2;
	v3 =	vsel vm0, $0x1, v0;
	vm0 =	vgt.f32 v57, v1  }
0xe1: {  	v4 =	vsel vm12, v3, v4;
	v3 =	vsel vm12, $0x2, v3;
	vm12 =	vnez.u8 v59  }
0xe2: {  	v2 =	vsel vm0, v1, v2;
	v1 =	vsel vm0, v57, v1;
	v4 =	vsel vm12, $0x3, v4  }
0xe3: {  	v1 =	vsub.f32 v2, v1;
	vm12 =	vnez.u8 v60;
	v2 =	vsel vm9, v3, v4  }
0xe4: {  	v3 =	vsel vm9, $0x3, v3;
	v2 =	vsel vm12, $0x4, v2  }
0xe5: {  	v1 =	vmul.f32 $1.442695020e+00, v1;
	vm12 =	vnez.u8 v61;
	v2 =	vsel vm8, v3, v2  }
0xe6: {  	v3 =	vsel vm8, $0x4, v3;
	v2 =	vsel vm12, $0x5, v2  }
0xe7: {  	(erf) = vpow2.f32 v1;
	v1 =	vsel vm7, v3, v2;
	v2 =	vsel vm7, $0x5, v3;
	v3 =	vld [tilespmem:$0x1FED0];
	_ =	sdelay $0x4  }
0xe8: {  	vm9 =	vnez.u8 v3;
	v3 =	vld [tilespmem:$0x1FEE0];
	_ =	sdelay $0x3  }
0xe9: {  	v1 =	vsel vm9, $0x6, v1  }
0xea: {  	v1 =	vsel vm11, v2, v1;
	v2 =	vsel vm11, $0x6, v2;
	vm11 =	vnez.u8 v3;
	v3 =	vld [tilespmem:$0x1FEF0];
	_ =	sdelay $0x4  }
0xeb: {  	vm12 =	vnez.u8 v3;
	v3 =	vld [tilespmem:$0x1FF00];
	_ =	sdelay $0x3  }
0xec: {  	v1 =	vsel vm11, $0x7, v1  }
0xed: {  	v1 =	vsel vm13, v2, v1;
	v2 =	vsel vm13, $0x7, v2;
	vm13 =	vnez.u8 v3;
	v3 =	vpop (erf)  }
0xee: {  	v3 =	vadd.f32 $1.000000000e+00, v3  }
0xef: {  	v62 =	vld [tilespmem:$0x1FF10]  }
0xf0: {  	(erf) = vrcp.f32 v3;
	v3 =	vld [tilespmem:$0x1FF30]  }
0xf1: {  	v63 =	vld [tilespmem:$0x1FF20];
	v1 =	vsel vm12, $0x8, v1  }
0xf2: {  	v1 =	vsel vm6, v2, v1  }
0xf3: {  	v2 =	vsel vm6, $0x8, v2;
	v1 =	vsel vm13, $0x9, v1  }
0xf4: {  	[tilespmem:$0x1FF40] =	vst v5;
	vm9 =	vnez.u8 v62;
	v1 =	vsel vm5, v2, v1  }
0xf5: {  	v2 =	vsel vm5, $0x9, v2;
	v1 =	vsel vm9, $0xA, v1;
	vm12 =	vnez.u8 v3;
	v3 =	vld [tilespmem:$0x1FF40]  }
0xf6: {  	vm11 =	vnez.u8 v63;
	v1 =	vsel vm4, v2, v1  }
0xf7: {  	v2 =	vsel vm4, $0xA, v2;
	v1 =	vsel vm11, $0xB, v1  }
0xf8: {  	v1 =	vsel vm3, v2, v1  }
0xf9: {  	v2 =	vsel vm3, $0xB, v2;
	v1 =	vsel vm12, $0xC, v1  }
0xfa: {  	v1 =	vsel vm2, v2, v1;
	vm13 =	vnez.u8 v3  }
0xfb: {  	v2 =	vsel vm2, $0xC, v2;
	v1 =	vsel vm13, $0xD, v1  }
0xfc: {  	v1 =	vsel vm1, v2, v1  }
0xfd: {  	v2 =	vsel vm1, $0xD, v2;
	v1 =	vsel vm15, $0xE, v1  }
0xfe: {  	v1 =	vsel vm10, v2, v1;
	v2 =	vsel vm10, $0xE, v2;
	_ =	sdelay $0x1  }
0xff: {  	s22 =	sadd.s32 $0x10, s22;
	v1 =	vsel vm14, $0xF, v1;
	v3 =	vsel vm0, $0xF, v2  }
0x100: {  	v1 =	vsel vm0, v2, v1;
	[tilespmem:s22+$0x0] =	vst v3;
	v2 =	vpop (erf)  }
0x101: {  	[tilespmem:s21+$0x0] =	vst v1;
	v1 =	vsub.f32 $1.000000000e+00, v2  }
0x102: {  	[tilespmem:s19+$0x0] =	vst v2  }
0x103: {  	[tilespmem:s20+$0x0] =	vst v1  }
0x104: {  	[hbm4b:s4+s12] =	stream.strided.scatter [tilespmem:s14], [sflag:$0x1], $0x200, s13, s12, $0x38;
	[tilespmem:$0x2800] =	vst v63  }
0x105: {  	_ =	swait.ge [sflag:s11], $0x200  }
0x106: {  	[sflag:s11] =	ssyncset.done $0x0  }
0x107: {  	[sflag:s11] =	ssyncadd.s32 $0xFFFFFE00  }
0x108: {  	[hbm4b:s5+s12] =	stream.strided.scatter [tilespmem:s15], [sflag:$0x1], $0x200, s13, s12, $0x38;
	[tilespmem:$0x2800] =	vst v63  }
0x109: {  	_ =	swait.ge [sflag:s11], $0x200  }
0x10a: {  	[sflag:s11] =	ssyncset.done $0x0  }
0x10b: {  	[sflag:s11] =	ssyncadd.s32 $0xFFFFFE00  }
0x10c: {  	[hbm4b:s6+s12] =	stream.strided.scatter [tilespmem:s16], [sflag:$0x1], $0x200, s13, s12, $0x38;
	[tilespmem:$0x2800] =	vst v63  }
0x10d: {  	s18 =	sadd.s32 $0x1, s18;
	_ =	swait.ge [sflag:s11], $0x200  }
0x10e: {  	p0 =	sne.s32 s18, s8;
	[sflag:s11] =	ssyncset.done $0x0  }
.Ltmp1:
0x10f: {  	[sflag:s11] =	ssyncadd.s32 $0xFFFFFE00;
	(pc) =	sbr.rel @p0 .LBB2_1-.Ltmp1, $4  }
0x110: {  	[hbm4b:s7+s12] =	stream.strided.scatter [tilespmem:s17], [sflag:$0x1], $0x200, s13, s12, $0x38;
	[tilespmem:$0x2800] =	vst v63  }
0x111: {  	_ =	swait.ge [sflag:s11], $0x200  }
0x112: {  	[sflag:s11] =	ssyncset.done $0x0  }
0x113: {  	[sflag:s11] =	ssyncadd.s32 $0xFFFFFE00  }
0x114: {  	_ =	sfence.sel $0x180000  }
0x115: {  	[bflag:$0x0] =	sbarrier.arrive $0xFFFF  }
0x116: {  	p0 =	sne.s32 s1, $0x0;
	_ =	strace $0x90000047  }
0x117: {  	s0 =	sadd.s32 @!p0 $0x100000, s0;
	[bflag:$0x2] =	sbarrier.arrive $0xFFFF  }
0x118: {  	[sflag:s0] =	ssyncadd.tile.s32 @!p0 $0x1;
	_ =	shalt  }
.Lfunc_end2:
_tile_overlayer_lowered:
.L_overlay_start_2:
0x119: {  	(tag) =	ssettag $0x2  }
0x11a: {  	s0 =	rddreg [dreg:$0x0];
	s2 =	stileid.u32  }
0x11b: {  	s1 =	rddreg [dreg:$0x1];
	p0 =	sne.s32 s2, $0x0  }
0x11c: {  	s3 =	rddreg [dreg:$0x2];
	[bflag:$0x3] =	sbarrier.arrive $0xFFFF;
	s2 =	simm.s32 @!p0 $0x1C01  }
0x11d: {  	[timem:s3], [sflag:s2] =	dma.local @!p0 [hbm:s0], s1  }
0x11e: {  	s0 =	simm.s32 @!p0 $0x1  }
0x11f: {  	_ =	swait.ge @!p0 [sflag:s0], s1  }
0x120: {  	s1 =	ssub.s32 @!p0 $0x0, s1;
	[sflag:s0] =	ssyncset.done @!p0 $0x0  }
0x121: {  	[sflag:s0] =	ssyncadd.s32 @!p0 s1  }
0x122: {  	[bflag:$0x3] =	sbarrier.arrive $0xFFFF  }
0x123: {  	_ =	shalt  }

</sc_bundles>
